<compile_context>
chip_gen: v7x
topology: tpu7x:2x2x1
jax: 0.10.2.dev20260603
libtpu: 0.0.44.dev20260713+nightly
codegen_flags: <defaults>
</compile_context>

<pallas_src>
import jax
import jax.numpy as jnp
from jax import lax
from jax.experimental import pallas as pl
from jax.experimental.pallas import tpu as pltpu
from jax.experimental.pallas import tpu_sc as plsc

_NC = 2
_NS = 16
_NW = _NC * _NS
_LANES = 16


def _embed_kernel(idx_hbm, tok_hbm, pos_hbm, out_hbm, idx_v, rows_v, pos_v,
                  isem, psem, gsem, osem):
    n, embed = out_hbm.shape
    batch, seqlen = idx_hbm.shape
    seg = seqlen // _NW
    wid = lax.axis_index("s") * _NC + lax.axis_index("c")
    s0 = wid * seg

    idx_cps = [
        pltpu.async_copy(idx_hbm.at[b, pl.ds(s0, seg)], idx_v.at[b], isem.at[b])
        for b in range(batch)
    ]
    pos_cp = pltpu.async_copy(pos_hbm.at[pl.ds(s0, seg)], pos_v, psem)
    gat = []
    for b in range(batch):
        idx_cps[b].wait()
        gat.append(
            pltpu.async_copy(
                tok_hbm.at[idx_v.at[b]],
                rows_v.at[pl.ds(b * seg, seg)],
                gsem.at[b],
            )
        )
    pos_cp.wait()
    out = []
    for b in range(batch):
        gat[b].wait()

        @pl.loop(0, seg)
        def _row(i, b=b):
            @pl.loop(0, embed, step=_LANES)
            def _lane(j, i=i, b=b):
                dst = (pl.ds(b * seg + i, 1), pl.ds(j, _LANES))
                src = (pl.ds(i, 1), pl.ds(j, _LANES))
                rows_v.at[*dst][...] = rows_v.at[*dst][...] + pos_v.at[*src][...]

        out.append(
            pltpu.async_copy(
                rows_v.at[pl.ds(b * seg, seg)],
                out_hbm.at[pl.ds(b * seqlen + s0, seg)],
                osem.at[b],
            )
        )
    for b in range(batch):
        out[b].wait()


def kernel(inputs, input_table, position_table):
    batch, seqlen = inputs.shape
    vocab, embed = input_table.shape
    n = batch * seqlen
    seg = seqlen // _NW

    mesh = plsc.VectorSubcoreMesh(core_axis_name="c", subcore_axis_name="s")
    run = pl.kernel(
        _embed_kernel,
        out_type=jax.ShapeDtypeStruct((n, embed), jnp.float32),
        mesh=mesh,
        scratch_types=[
            pltpu.VMEM((batch, seg), jnp.int32),
            pltpu.VMEM((batch * seg, embed), jnp.float32),
            pltpu.VMEM((seg, embed), jnp.float32),
            pltpu.SemaphoreType.DMA((batch,)),
            pltpu.SemaphoreType.DMA,
            pltpu.SemaphoreType.DMA((batch,)),
            pltpu.SemaphoreType.DMA((batch,)),
        ],
    )
    out = run(inputs.astype(jnp.int32), input_table, position_table)
    return out.reshape(batch, seqlen, embed)

# --- scband reference (transcript-rebuilt; emitter-appended) ---
"""Pipeline reference for scband-embedding-60395830116497 (READ-ONLY COPY).

The authoritative reference and input builder live on the scoring server;
editing this copy changes nothing except your own understanding.
"""

import jax, jax.numpy as jnp
import numpy as np

VOCAB = 100000
SEQLEN = 2048
EMBED = 128
BATCH = 4

def setup_inputs(seed: int = 0) -> dict:
    key = jax.random.key(seed)
    k1, k2, k3 = jax.random.split(key, 3)
    inputs = jax.random.randint(k1, (BATCH, SEQLEN), 0, VOCAB, dtype=jnp.int64 if jax.config.jax_enable_x64 else jnp.int32)
    input_table = jax.random.normal(k2, (VOCAB, EMBED), dtype=jnp.float32) * (1.0 / np.sqrt(EMBED))
    position_table = jax.random.normal(k3, (SEQLEN, EMBED), dtype=jnp.float32) * (1.0 / np.sqrt(EMBED))
    return {"inputs": inputs, "input_table": input_table, "position_table": position_table}

def reference(inputs, input_table, position_table):
    # token embedding lookup (gather)
    tok = jnp.take(input_table, inputs, axis=0)            # [B, S, E]
    # position embedding lookup
    positions = jnp.arange(SEQLEN)
    pos = jnp.take(position_table, positions, axis=0)      # [S, E]
    # dropout is identity in eval/reference mode
    return tok + pos[None, :, :]

if __name__ == "__main__":
    import jax
    _d = setup_inputs()
    print(jax.jit(kernel)(*tuple(_d.values())))

</pallas_src>

<mosaic_0001>
#map = affine_map<(d0, d1) -> (0, 0)>
module attributes {stable_mosaic.version = 14 : i64} {
  func.func @_embed_kernel(%arg0: i32, %arg1: i32, %arg2: memref<4x2048xi32, #tpu.memory_space<hbm>>, %arg3: memref<100000x128xf32, #tpu.memory_space<hbm>>, %arg4: memref<2048x128xf32, #tpu.memory_space<hbm>>, %arg5: memref<8192x128xf32, #tpu.memory_space<hbm>>, %arg6: memref<4x64xi32, #tpu.memory_space<vmem>>, %arg7: memref<256x128xf32, #tpu.memory_space<vmem>>, %arg8: memref<64x128xf32, #tpu.memory_space<vmem>>, %arg9: memref<4x!tpu.dma_semaphore, #tpu.memory_space<semaphore_mem>>, %arg10: memref<!tpu.dma_semaphore, #tpu.memory_space<semaphore_mem>>, %arg11: memref<4x!tpu.dma_semaphore, #tpu.memory_space<semaphore_mem>>, %arg12: memref<4x!tpu.dma_semaphore, #tpu.memory_space<semaphore_mem>>) attributes {dimension_semantics = [#tpu.dimension_semantics<core_parallel>, #tpu.dimension_semantics<subcore_parallel>], iteration_bounds = array<i64: 2, 16>, scalar_prefetch = 0 : i64, scratch_operands = 7 : i64, tpu.core_type = #tpu.core_type<sc_vector_subcore>, window_params = [{transform_indices = #map}, {transform_indices = #map}, {transform_indices = #map}, {transform_indices = #map}]} {
    %mul3A = arith.constant 2 : i32
    %mul3A_0 = arith.muli %arg1, %mul3A : i32
    %add3A = arith.addi %mul3A_0, %arg0 : i32
    %mul3A_1 = arith.constant 64 : i32
    %mul3A_2 = arith.muli %add3A, %mul3A_1 : i32
    %dma_start3A = arith.constant 0 : i32
    %dma_start3A_3 = arith.constant 0 : i32
    %dma_start3A_4 = arith.constant 0 : i32
    %dma_start3A_5 = arith.constant 0 : i32
    %dma_start3A_6 = tpu.memref_slice %arg6[%dma_start3A_3, %dma_start3A_5] : memref<4x64xi32, #tpu.memory_space<vmem>> -> memref<1x64xi32, #tpu.memory_space<vmem>>
    %dma_start3A_7 = tpu.memref_squeeze %dma_start3A_6 : memref<1x64xi32, #tpu.memory_space<vmem>> -> memref<64xi32, #tpu.memory_space<vmem>>
    %dma_start3A_8 = tpu.memref_slice %arg2[%dma_start3A, %mul3A_2] : memref<4x2048xi32, #tpu.memory_space<hbm>> -> memref<1x64xi32, #tpu.memory_space<hbm>>
    %dma_start3A_9 = tpu.memref_squeeze %dma_start3A_8 : memref<1x64xi32, #tpu.memory_space<hbm>> -> memref<64xi32, #tpu.memory_space<hbm>>
    %dma_start3A_10 = tpu.memref_slice %arg9[%dma_start3A_4] : memref<4x!tpu.dma_semaphore, #tpu.memory_space<semaphore_mem>> -> memref<1x!tpu.dma_semaphore, #tpu.memory_space<semaphore_mem>>
    %dma_start3A_11 = tpu.memref_squeeze %dma_start3A_10 : memref<1x!tpu.dma_semaphore, #tpu.memory_space<semaphore_mem>> -> memref<!tpu.dma_semaphore, #tpu.memory_space<semaphore_mem>>
    %dma_start3A_12 = arith.constant 0 : i32
    %dma_start3A_13 = tpu.memref_slice %arg6[%dma_start3A_3, %dma_start3A_12] : memref<4x64xi32, #tpu.memory_space<vmem>> -> memref<1x64xi32, #tpu.memory_space<vmem>>
    %dma_start3A_14 = tpu.memref_squeeze %dma_start3A_13 : memref<1x64xi32, #tpu.memory_space<vmem>> -> memref<64xi32, #tpu.memory_space<vmem>>
    %dma_start3A_15 = tpu.memref_slice %arg2[%dma_start3A, %mul3A_2] : memref<4x2048xi32, #tpu.memory_space<hbm>> -> memref<1x64xi32, #tpu.memory_space<hbm>>
    %dma_start3A_16 = tpu.memref_squeeze %dma_start3A_15 : memref<1x64xi32, #tpu.memory_space<hbm>> -> memref<64xi32, #tpu.memory_space<hbm>>
    tpu.enqueue_dma source(%dma_start3A_16 : memref<64xi32, #tpu.memory_space<hbm>>) target(%dma_start3A_14 : memref<64xi32, #tpu.memory_space<vmem>>) target_semaphore(%dma_start3A_11 : memref<!tpu.dma_semaphore, #tpu.memory_space<semaphore_mem>>)
    %dma_start3A_17 = arith.constant 1 : i32
    %dma_start3A_18 = arith.constant 1 : i32
    %dma_start3A_19 = arith.constant 1 : i32
    %dma_start3A_20 = arith.constant 0 : i32
    %dma_start3A_21 = tpu.memref_slice %arg6[%dma_start3A_18, %dma_start3A_20] : memref<4x64xi32, #tpu.memory_space<vmem>> -> memref<1x64xi32, #tpu.memory_space<vmem>>
    %dma_start3A_22 = tpu.memref_squeeze %dma_start3A_21 : memref<1x64xi32, #tpu.memory_space<vmem>> -> memref<64xi32, #tpu.memory_space<vmem>>
    %dma_start3A_23 = tpu.memref_slice %arg2[%dma_start3A_17, %mul3A_2] : memref<4x2048xi32, #tpu.memory_space<hbm>> -> memref<1x64xi32, #tpu.memory_space<hbm>>
    %dma_start3A_24 = tpu.memref_squeeze %dma_start3A_23 : memref<1x64xi32, #tpu.memory_space<hbm>> -> memref<64xi32, #tpu.memory_space<hbm>>
    %dma_start3A_25 = tpu.memref_slice %arg9[%dma_start3A_19] : memref<4x!tpu.dma_semaphore, #tpu.memory_space<semaphore_mem>> -> memref<1x!tpu.dma_semaphore, #tpu.memory_space<semaphore_mem>>
    %dma_start3A_26 = tpu.memref_squeeze %dma_start3A_25 : memref<1x!tpu.dma_semaphore, #tpu.memory_space<semaphore_mem>> -> memref<!tpu.dma_semaphore, #tpu.memory_space<semaphore_mem>>
    %dma_start3A_27 = arith.constant 0 : i32
    %dma_start3A_28 = tpu.memref_slice %arg6[%dma_start3A_18, %dma_start3A_27] : memref<4x64xi32, #tpu.memory_space<vmem>> -> memref<1x64xi32, #tpu.memory_space<vmem>>
    %dma_start3A_29 = tpu.memref_squeeze %dma_start3A_28 : memref<1x64xi32, #tpu.memory_space<vmem>> -> memref<64xi32, #tpu.memory_space<vmem>>
    %dma_start3A_30 = tpu.memref_slice %arg2[%dma_start3A_17, %mul3A_2] : memref<4x2048xi32, #tpu.memory_space<hbm>> -> memref<1x64xi32, #tpu.memory_space<hbm>>
    %dma_start3A_31 = tpu.memref_squeeze %dma_start3A_30 : memref<1x64xi32, #tpu.memory_space<hbm>> -> memref<64xi32, #tpu.memory_space<hbm>>
    tpu.enqueue_dma source(%dma_start3A_31 : memref<64xi32, #tpu.memory_space<hbm>>) target(%dma_start3A_29 : memref<64xi32, #tpu.memory_space<vmem>>) target_semaphore(%dma_start3A_26 : memref<!tpu.dma_semaphore, #tpu.memory_space<semaphore_mem>>)
    %dma_start3A_32 = arith.constant 2 : i32
    %dma_start3A_33 = arith.constant 2 : i32
    %dma_start3A_34 = arith.constant 2 : i32
    %dma_start3A_35 = arith.constant 0 : i32
    %dma_start3A_36 = tpu.memref_slice %arg6[%dma_start3A_33, %dma_start3A_35] : memref<4x64xi32, #tpu.memory_space<vmem>> -> memref<1x64xi32, #tpu.memory_space<vmem>>
    %dma_start3A_37 = tpu.memref_squeeze %dma_start3A_36 : memref<1x64xi32, #tpu.memory_space<vmem>> -> memref<64xi32, #tpu.memory_space<vmem>>
    %dma_start3A_38 = tpu.memref_slice %arg2[%dma_start3A_32, %mul3A_2] : memref<4x2048xi32, #tpu.memory_space<hbm>> -> memref<1x64xi32, #tpu.memory_space<hbm>>
    %dma_start3A_39 = tpu.memref_squeeze %dma_start3A_38 : memref<1x64xi32, #tpu.memory_space<hbm>> -> memref<64xi32, #tpu.memory_space<hbm>>
    %dma_start3A_40 = tpu.memref_slice %arg9[%dma_start3A_34] : memref<4x!tpu.dma_semaphore, #tpu.memory_space<semaphore_mem>> -> memref<1x!tpu.dma_semaphore, #tpu.memory_space<semaphore_mem>>
    %dma_start3A_41 = tpu.memref_squeeze %dma_start3A_40 : memref<1x!tpu.dma_semaphore, #tpu.memory_space<semaphore_mem>> -> memref<!tpu.dma_semaphore, #tpu.memory_space<semaphore_mem>>
    %dma_start3A_42 = arith.constant 0 : i32
    %dma_start3A_43 = tpu.memref_slice %arg6[%dma_start3A_33, %dma_start3A_42] : memref<4x64xi32, #tpu.memory_space<vmem>> -> memref<1x64xi32, #tpu.memory_space<vmem>>
    %dma_start3A_44 = tpu.memref_squeeze %dma_start3A_43 : memref<1x64xi32, #tpu.memory_space<vmem>> -> memref<64xi32, #tpu.memory_space<vmem>>
    %dma_start3A_45 = tpu.memref_slice %arg2[%dma_start3A_32, %mul3A_2] : memref<4x2048xi32, #tpu.memory_space<hbm>> -> memref<1x64xi32, #tpu.memory_space<hbm>>
    %dma_start3A_46 = tpu.memref_squeeze %dma_start3A_45 : memref<1x64xi32, #tpu.memory_space<hbm>> -> memref<64xi32, #tpu.memory_space<hbm>>
    tpu.enqueue_dma source(%dma_start3A_46 : memref<64xi32, #tpu.memory_space<hbm>>) target(%dma_start3A_44 : memref<64xi32, #tpu.memory_space<vmem>>) target_semaphore(%dma_start3A_41 : memref<!tpu.dma_semaphore, #tpu.memory_space<semaphore_mem>>)
    %dma_start3A_47 = arith.constant 3 : i32
    %dma_start3A_48 = arith.constant 3 : i32
    %dma_start3A_49 = arith.constant 3 : i32
    %dma_start3A_50 = arith.constant 0 : i32
    %dma_start3A_51 = tpu.memref_slice %arg6[%dma_start3A_48, %dma_start3A_50] : memref<4x64xi32, #tpu.memory_space<vmem>> -> memref<1x64xi32, #tpu.memory_space<vmem>>
    %dma_start3A_52 = tpu.memref_squeeze %dma_start3A_51 : memref<1x64xi32, #tpu.memory_space<vmem>> -> memref<64xi32, #tpu.memory_space<vmem>>
    %dma_start3A_53 = tpu.memref_slice %arg2[%dma_start3A_47, %mul3A_2] : memref<4x2048xi32, #tpu.memory_space<hbm>> -> memref<1x64xi32, #tpu.memory_space<hbm>>
    %dma_start3A_54 = tpu.memref_squeeze %dma_start3A_53 : memref<1x64xi32, #tpu.memory_space<hbm>> -> memref<64xi32, #tpu.memory_space<hbm>>
    %dma_start3A_55 = tpu.memref_slice %arg9[%dma_start3A_49] : memref<4x!tpu.dma_semaphore, #tpu.memory_space<semaphore_mem>> -> memref<1x!tpu.dma_semaphore, #tpu.memory_space<semaphore_mem>>
    %dma_start3A_56 = tpu.memref_squeeze %dma_start3A_55 : memref<1x!tpu.dma_semaphore, #tpu.memory_space<semaphore_mem>> -> memref<!tpu.dma_semaphore, #tpu.memory_space<semaphore_mem>>
    %dma_start3A_57 = arith.constant 0 : i32
    %dma_start3A_58 = tpu.memref_slice %arg6[%dma_start3A_48, %dma_start3A_57] : memref<4x64xi32, #tpu.memory_space<vmem>> -> memref<1x64xi32, #tpu.memory_space<vmem>>
    %dma_start3A_59 = tpu.memref_squeeze %dma_start3A_58 : memref<1x64xi32, #tpu.memory_space<vmem>> -> memref<64xi32, #tpu.memory_space<vmem>>
    %dma_start3A_60 = tpu.memref_slice %arg2[%dma_start3A_47, %mul3A_2] : memref<4x2048xi32, #tpu.memory_space<hbm>> -> memref<1x64xi32, #tpu.memory_space<hbm>>
    %dma_start3A_61 = tpu.memref_squeeze %dma_start3A_60 : memref<1x64xi32, #tpu.memory_space<hbm>> -> memref<64xi32, #tpu.memory_space<hbm>>
    tpu.enqueue_dma source(%dma_start3A_61 : memref<64xi32, #tpu.memory_space<hbm>>) target(%dma_start3A_59 : memref<64xi32, #tpu.memory_space<vmem>>) target_semaphore(%dma_start3A_56 : memref<!tpu.dma_semaphore, #tpu.memory_space<semaphore_mem>>)
    %dma_start3A_62 = arith.constant 0 : i32
    %dma_start3A_63 = tpu.memref_slice %arg4[%mul3A_2, %dma_start3A_62] : memref<2048x128xf32, #tpu.memory_space<hbm>> -> memref<64x128xf32, #tpu.memory_space<hbm>>
    %dma_start3A_64 = arith.constant 0 : i32
    %dma_start3A_65 = tpu.memref_slice %arg4[%mul3A_2, %dma_start3A_64] : memref<2048x128xf32, #tpu.memory_space<hbm>> -> memref<64x128xf32, #tpu.memory_space<hbm>>
    tpu.enqueue_dma source(%dma_start3A_65 : memref<64x128xf32, #tpu.memory_space<hbm>>) target(%arg8 : memref<64x128xf32, #tpu.memory_space<vmem>>) target_semaphore(%arg10 : memref<!tpu.dma_semaphore, #tpu.memory_space<semaphore_mem>>)
    %dma_wait3A = arith.constant 0 : i32
    %dma_wait3A_66 = arith.constant 0 : i32
    %dma_wait3A_67 = arith.constant 0 : i32
    %dma_wait3A_68 = arith.constant 0 : i32
    %dma_wait3A_69 = tpu.memref_slice %arg6[%dma_wait3A_66, %dma_wait3A_68] : memref<4x64xi32, #tpu.memory_space<vmem>> -> memref<1x64xi32, #tpu.memory_space<vmem>>
    %dma_wait3A_70 = tpu.memref_squeeze %dma_wait3A_69 : memref<1x64xi32, #tpu.memory_space<vmem>> -> memref<64xi32, #tpu.memory_space<vmem>>
    %dma_wait3A_71 = tpu.memref_slice %arg2[%dma_wait3A, %mul3A_2] : memref<4x2048xi32, #tpu.memory_space<hbm>> -> memref<1x64xi32, #tpu.memory_space<hbm>>
    %dma_wait3A_72 = tpu.memref_squeeze %dma_wait3A_71 : memref<1x64xi32, #tpu.memory_space<hbm>> -> memref<64xi32, #tpu.memory_space<hbm>>
    %dma_wait3A_73 = tpu.memref_slice %arg9[%dma_wait3A_67] : memref<4x!tpu.dma_semaphore, #tpu.memory_space<semaphore_mem>> -> memref<1x!tpu.dma_semaphore, #tpu.memory_space<semaphore_mem>>
    %dma_wait3A_74 = tpu.memref_squeeze %dma_wait3A_73 : memref<1x!tpu.dma_semaphore, #tpu.memory_space<semaphore_mem>> -> memref<!tpu.dma_semaphore, #tpu.memory_space<semaphore_mem>>
    %dma_wait3A_75 = arith.constant 0 : i32
    %dma_wait3A_76 = tpu.memref_slice %arg6[%dma_wait3A_66, %dma_wait3A_75] : memref<4x64xi32, #tpu.memory_space<vmem>> -> memref<1x64xi32, #tpu.memory_space<vmem>>
    %dma_wait3A_77 = tpu.memref_squeeze %dma_wait3A_76 : memref<1x64xi32, #tpu.memory_space<vmem>> -> memref<64xi32, #tpu.memory_space<vmem>>
    %dma_wait3A_78 = tpu.memref_slice %arg2[%dma_wait3A, %mul3A_2] : memref<4x2048xi32, #tpu.memory_space<hbm>> -> memref<1x64xi32, #tpu.memory_space<hbm>>
    %dma_wait3A_79 = tpu.memref_squeeze %dma_wait3A_78 : memref<1x64xi32, #tpu.memory_space<hbm>> -> memref<64xi32, #tpu.memory_space<hbm>>
    tpu.wait_dma2 semaphore(%dma_wait3A_74 : memref<!tpu.dma_semaphore, #tpu.memory_space<semaphore_mem>>) src(%dma_wait3A_79 : memref<64xi32, #tpu.memory_space<hbm>>) dst(%dma_wait3A_77 : memref<64xi32, #tpu.memory_space<vmem>>)
    %dma_start3A_80 = arith.constant 0 : i32
    %dma_start3A_81 = arith.constant 0 : i32
    %dma_start3A_82 = arith.constant 0 : i32
    %dma_start3A_83 = arith.constant 0 : i32
    %dma_start3A_84 = tpu.memref_slice %arg7[%dma_start3A_82, %dma_start3A_83] : memref<256x128xf32, #tpu.memory_space<vmem>> -> memref<64x128xf32, #tpu.memory_space<vmem>>
    %dma_start3A_85 = arith.constant 0 : i32
    %dma_start3A_86 = tpu.memref_slice %arg6[%dma_start3A_80, %dma_start3A_85] : memref<4x64xi32, #tpu.memory_space<vmem>> -> memref<1x64xi32, #tpu.memory_space<vmem>>
    %dma_start3A_87 = tpu.memref_squeeze %dma_start3A_86 : memref<1x64xi32, #tpu.memory_space<vmem>> -> memref<64xi32, #tpu.memory_space<vmem>>
    %dma_start3A_88 = arith.constant 0 : i32
    %dma_start3A_89 = arith.constant 0 : i32
    %dma_start3A_90 = tpu.memref_slice %arg3[%dma_start3A_88, %dma_start3A_89] : memref<100000x128xf32, #tpu.memory_space<hbm>> -> memref<100000x128xf32, #tpu.memory_space<hbm>>
    %dma_start3A_91 = tpu.memref_slice %arg11[%dma_start3A_81] : memref<4x!tpu.dma_semaphore, #tpu.memory_space<semaphore_mem>> -> memref<1x!tpu.dma_semaphore, #tpu.memory_space<semaphore_mem>>
    %dma_start3A_92 = tpu.memref_squeeze %dma_start3A_91 : memref<1x!tpu.dma_semaphore, #tpu.memory_space<semaphore_mem>> -> memref<!tpu.dma_semaphore, #tpu.memory_space<semaphore_mem>>
    tpu.enqueue_indirect_dma source(%dma_start3A_90 : memref<100000x128xf32, #tpu.memory_space<hbm>>) target(%dma_start3A_84 : memref<64x128xf32, #tpu.memory_space<vmem>>) offsets(%dma_start3A_87 : memref<64xi32, #tpu.memory_space<vmem>>) semaphore(%dma_start3A_92 : memref<!tpu.dma_semaphore, #tpu.memory_space<semaphore_mem>>)
    %dma_wait3A_93 = arith.constant 1 : i32
    %dma_wait3A_94 = arith.constant 1 : i32
    %dma_wait3A_95 = arith.constant 1 : i32
    %dma_wait3A_96 = arith.constant 0 : i32
    %dma_wait3A_97 = tpu.memref_slice %arg6[%dma_wait3A_94, %dma_wait3A_96] : memref<4x64xi32, #tpu.memory_space<vmem>> -> memref<1x64xi32, #tpu.memory_space<vmem>>
    %dma_wait3A_98 = tpu.memref_squeeze %dma_wait3A_97 : memref<1x64xi32, #tpu.memory_space<vmem>> -> memref<64xi32, #tpu.memory_space<vmem>>
    %dma_wait3A_99 = tpu.memref_slice %arg2[%dma_wait3A_93, %mul3A_2] : memref<4x2048xi32, #tpu.memory_space<hbm>> -> memref<1x64xi32, #tpu.memory_space<hbm>>
    %dma_wait3A_100 = tpu.memref_squeeze %dma_wait3A_99 : memref<1x64xi32, #tpu.memory_space<hbm>> -> memref<64xi32, #tpu.memory_space<hbm>>
    %dma_wait3A_101 = tpu.memref_slice %arg9[%dma_wait3A_95] : memref<4x!tpu.dma_semaphore, #tpu.memory_space<semaphore_mem>> -> memref<1x!tpu.dma_semaphore, #tpu.memory_space<semaphore_mem>>
    %dma_wait3A_102 = tpu.memref_squeeze %dma_wait3A_101 : memref<1x!tpu.dma_semaphore, #tpu.memory_space<semaphore_mem>> -> memref<!tpu.dma_semaphore, #tpu.memory_space<semaphore_mem>>
    %dma_wait3A_103 = arith.constant 0 : i32
    %dma_wait3A_104 = tpu.memref_slice %arg6[%dma_wait3A_94, %dma_wait3A_103] : memref<4x64xi32, #tpu.memory_space<vmem>> -> memref<1x64xi32, #tpu.memory_space<vmem>>
    %dma_wait3A_105 = tpu.memref_squeeze %dma_wait3A_104 : memref<1x64xi32, #tpu.memory_space<vmem>> -> memref<64xi32, #tpu.memory_space<vmem>>
    %dma_wait3A_106 = tpu.memref_slice %arg2[%dma_wait3A_93, %mul3A_2] : memref<4x2048xi32, #tpu.memory_space<hbm>> -> memref<1x64xi32, #tpu.memory_space<hbm>>
    %dma_wait3A_107 = tpu.memref_squeeze %dma_wait3A_106 : memref<1x64xi32, #tpu.memory_space<hbm>> -> memref<64xi32, #tpu.memory_space<hbm>>
    tpu.wait_dma2 semaphore(%dma_wait3A_102 : memref<!tpu.dma_semaphore, #tpu.memory_space<semaphore_mem>>) src(%dma_wait3A_107 : memref<64xi32, #tpu.memory_space<hbm>>) dst(%dma_wait3A_105 : memref<64xi32, #tpu.memory_space<vmem>>)
    %dma_start3A_108 = arith.constant 1 : i32
    %dma_start3A_109 = arith.constant 1 : i32
    %dma_start3A_110 = arith.constant 64 : i32
    %dma_start3A_111 = arith.constant 0 : i32
    %dma_start3A_112 = tpu.memref_slice %arg7[%dma_start3A_110, %dma_start3A_111] : memref<256x128xf32, #tpu.memory_space<vmem>> -> memref<64x128xf32, #tpu.memory_space<vmem>>
    %dma_start3A_113 = arith.constant 0 : i32
    %dma_start3A_114 = tpu.memref_slice %arg6[%dma_start3A_108, %dma_start3A_113] : memref<4x64xi32, #tpu.memory_space<vmem>> -> memref<1x64xi32, #tpu.memory_space<vmem>>
    %dma_start3A_115 = tpu.memref_squeeze %dma_start3A_114 : memref<1x64xi32, #tpu.memory_space<vmem>> -> memref<64xi32, #tpu.memory_space<vmem>>
    %dma_start3A_116 = arith.constant 0 : i32
    %dma_start3A_117 = arith.constant 0 : i32
    %dma_start3A_118 = tpu.memref_slice %arg3[%dma_start3A_116, %dma_start3A_117] : memref<100000x128xf32, #tpu.memory_space<hbm>> -> memref<100000x128xf32, #tpu.memory_space<hbm>>
    %dma_start3A_119 = tpu.memref_slice %arg11[%dma_start3A_109] : memref<4x!tpu.dma_semaphore, #tpu.memory_space<semaphore_mem>> -> memref<1x!tpu.dma_semaphore, #tpu.memory_space<semaphore_mem>>
    %dma_start3A_120 = tpu.memref_squeeze %dma_start3A_119 : memref<1x!tpu.dma_semaphore, #tpu.memory_space<semaphore_mem>> -> memref<!tpu.dma_semaphore, #tpu.memory_space<semaphore_mem>>
    tpu.enqueue_indirect_dma source(%dma_start3A_118 : memref<100000x128xf32, #tpu.memory_space<hbm>>) target(%dma_start3A_112 : memref<64x128xf32, #tpu.memory_space<vmem>>) offsets(%dma_start3A_115 : memref<64xi32, #tpu.memory_space<vmem>>) semaphore(%dma_start3A_120 : memref<!tpu.dma_semaphore, #tpu.memory_space<semaphore_mem>>)
    %dma_wait3A_121 = arith.constant 2 : i32
    %dma_wait3A_122 = arith.constant 2 : i32
    %dma_wait3A_123 = arith.constant 2 : i32
    %dma_wait3A_124 = arith.constant 0 : i32
    %dma_wait3A_125 = tpu.memref_slice %arg6[%dma_wait3A_122, %dma_wait3A_124] : memref<4x64xi32, #tpu.memory_space<vmem>> -> memref<1x64xi32, #tpu.memory_space<vmem>>
    %dma_wait3A_126 = tpu.memref_squeeze %dma_wait3A_125 : memref<1x64xi32, #tpu.memory_space<vmem>> -> memref<64xi32, #tpu.memory_space<vmem>>
    %dma_wait3A_127 = tpu.memref_slice %arg2[%dma_wait3A_121, %mul3A_2] : memref<4x2048xi32, #tpu.memory_space<hbm>> -> memref<1x64xi32, #tpu.memory_space<hbm>>
    %dma_wait3A_128 = tpu.memref_squeeze %dma_wait3A_127 : memref<1x64xi32, #tpu.memory_space<hbm>> -> memref<64xi32, #tpu.memory_space<hbm>>
    %dma_wait3A_129 = tpu.memref_slice %arg9[%dma_wait3A_123] : memref<4x!tpu.dma_semaphore, #tpu.memory_space<semaphore_mem>> -> memref<1x!tpu.dma_semaphore, #tpu.memory_space<semaphore_mem>>
    %dma_wait3A_130 = tpu.memref_squeeze %dma_wait3A_129 : memref<1x!tpu.dma_semaphore, #tpu.memory_space<semaphore_mem>> -> memref<!tpu.dma_semaphore, #tpu.memory_space<semaphore_mem>>
    %dma_wait3A_131 = arith.constant 0 : i32
    %dma_wait3A_132 = tpu.memref_slice %arg6[%dma_wait3A_122, %dma_wait3A_131] : memref<4x64xi32, #tpu.memory_space<vmem>> -> memref<1x64xi32, #tpu.memory_space<vmem>>
    %dma_wait3A_133 = tpu.memref_squeeze %dma_wait3A_132 : memref<1x64xi32, #tpu.memory_space<vmem>> -> memref<64xi32, #tpu.memory_space<vmem>>
    %dma_wait3A_134 = tpu.memref_slice %arg2[%dma_wait3A_121, %mul3A_2] : memref<4x2048xi32, #tpu.memory_space<hbm>> -> memref<1x64xi32, #tpu.memory_space<hbm>>
    %dma_wait3A_135 = tpu.memref_squeeze %dma_wait3A_134 : memref<1x64xi32, #tpu.memory_space<hbm>> -> memref<64xi32, #tpu.memory_space<hbm>>
    tpu.wait_dma2 semaphore(%dma_wait3A_130 : memref<!tpu.dma_semaphore, #tpu.memory_space<semaphore_mem>>) src(%dma_wait3A_135 : memref<64xi32, #tpu.memory_space<hbm>>) dst(%dma_wait3A_133 : memref<64xi32, #tpu.memory_space<vmem>>)
    %dma_start3A_136 = arith.constant 2 : i32
    %dma_start3A_137 = arith.constant 2 : i32
    %dma_start3A_138 = arith.constant 128 : i32
    %dma_start3A_139 = arith.constant 0 : i32
    %dma_start3A_140 = tpu.memref_slice %arg7[%dma_start3A_138, %dma_start3A_139] : memref<256x128xf32, #tpu.memory_space<vmem>> -> memref<64x128xf32, #tpu.memory_space<vmem>>
    %dma_start3A_141 = arith.constant 0 : i32
    %dma_start3A_142 = tpu.memref_slice %arg6[%dma_start3A_136, %dma_start3A_141] : memref<4x64xi32, #tpu.memory_space<vmem>> -> memref<1x64xi32, #tpu.memory_space<vmem>>
    %dma_start3A_143 = tpu.memref_squeeze %dma_start3A_142 : memref<1x64xi32, #tpu.memory_space<vmem>> -> memref<64xi32, #tpu.memory_space<vmem>>
    %dma_start3A_144 = arith.constant 0 : i32
    %dma_start3A_145 = arith.constant 0 : i32
    %dma_start3A_146 = tpu.memref_slice %arg3[%dma_start3A_144, %dma_start3A_145] : memref<100000x128xf32, #tpu.memory_space<hbm>> -> memref<100000x128xf32, #tpu.memory_space<hbm>>
    %dma_start3A_147 = tpu.memref_slice %arg11[%dma_start3A_137] : memref<4x!tpu.dma_semaphore, #tpu.memory_space<semaphore_mem>> -> memref<1x!tpu.dma_semaphore, #tpu.memory_space<semaphore_mem>>
    %dma_start3A_148 = tpu.memref_squeeze %dma_start3A_147 : memref<1x!tpu.dma_semaphore, #tpu.memory_space<semaphore_mem>> -> memref<!tpu.dma_semaphore, #tpu.memory_space<semaphore_mem>>
    tpu.enqueue_indirect_dma source(%dma_start3A_146 : memref<100000x128xf32, #tpu.memory_space<hbm>>) target(%dma_start3A_140 : memref<64x128xf32, #tpu.memory_space<vmem>>) offsets(%dma_start3A_143 : memref<64xi32, #tpu.memory_space<vmem>>) semaphore(%dma_start3A_148 : memref<!tpu.dma_semaphore, #tpu.memory_space<semaphore_mem>>)
    %dma_wait3A_149 = arith.constant 3 : i32
    %dma_wait3A_150 = arith.constant 3 : i32
    %dma_wait3A_151 = arith.constant 3 : i32
    %dma_wait3A_152 = arith.constant 0 : i32
    %dma_wait3A_153 = tpu.memref_slice %arg6[%dma_wait3A_150, %dma_wait3A_152] : memref<4x64xi32, #tpu.memory_space<vmem>> -> memref<1x64xi32, #tpu.memory_space<vmem>>
    %dma_wait3A_154 = tpu.memref_squeeze %dma_wait3A_153 : memref<1x64xi32, #tpu.memory_space<vmem>> -> memref<64xi32, #tpu.memory_space<vmem>>
    %dma_wait3A_155 = tpu.memref_slice %arg2[%dma_wait3A_149, %mul3A_2] : memref<4x2048xi32, #tpu.memory_space<hbm>> -> memref<1x64xi32, #tpu.memory_space<hbm>>
    %dma_wait3A_156 = tpu.memref_squeeze %dma_wait3A_155 : memref<1x64xi32, #tpu.memory_space<hbm>> -> memref<64xi32, #tpu.memory_space<hbm>>
    %dma_wait3A_157 = tpu.memref_slice %arg9[%dma_wait3A_151] : memref<4x!tpu.dma_semaphore, #tpu.memory_space<semaphore_mem>> -> memref<1x!tpu.dma_semaphore, #tpu.memory_space<semaphore_mem>>
    %dma_wait3A_158 = tpu.memref_squeeze %dma_wait3A_157 : memref<1x!tpu.dma_semaphore, #tpu.memory_space<semaphore_mem>> -> memref<!tpu.dma_semaphore, #tpu.memory_space<semaphore_mem>>
    %dma_wait3A_159 = arith.constant 0 : i32
    %dma_wait3A_160 = tpu.memref_slice %arg6[%dma_wait3A_150, %dma_wait3A_159] : memref<4x64xi32, #tpu.memory_space<vmem>> -> memref<1x64xi32, #tpu.memory_space<vmem>>
    %dma_wait3A_161 = tpu.memref_squeeze %dma_wait3A_160 : memref<1x64xi32, #tpu.memory_space<vmem>> -> memref<64xi32, #tpu.memory_space<vmem>>
    %dma_wait3A_162 = tpu.memref_slice %arg2[%dma_wait3A_149, %mul3A_2] : memref<4x2048xi32, #tpu.memory_space<hbm>> -> memref<1x64xi32, #tpu.memory_space<hbm>>
    %dma_wait3A_163 = tpu.memref_squeeze %dma_wait3A_162 : memref<1x64xi32, #tpu.memory_space<hbm>> -> memref<64xi32, #tpu.memory_space<hbm>>
    tpu.wait_dma2 semaphore(%dma_wait3A_158 : memref<!tpu.dma_semaphore, #tpu.memory_space<semaphore_mem>>) src(%dma_wait3A_163 : memref<64xi32, #tpu.memory_space<hbm>>) dst(%dma_wait3A_161 : memref<64xi32, #tpu.memory_space<vmem>>)
    %dma_start3A_164 = arith.constant 3 : i32
    %dma_start3A_165 = arith.constant 3 : i32
    %dma_start3A_166 = arith.constant 192 : i32
    %dma_start3A_167 = arith.constant 0 : i32
    %dma_start3A_168 = tpu.memref_slice %arg7[%dma_start3A_166, %dma_start3A_167] : memref<256x128xf32, #tpu.memory_space<vmem>> -> memref<64x128xf32, #tpu.memory_space<vmem>>
    %dma_start3A_169 = arith.constant 0 : i32
    %dma_start3A_170 = tpu.memref_slice %arg6[%dma_start3A_164, %dma_start3A_169] : memref<4x64xi32, #tpu.memory_space<vmem>> -> memref<1x64xi32, #tpu.memory_space<vmem>>
    %dma_start3A_171 = tpu.memref_squeeze %dma_start3A_170 : memref<1x64xi32, #tpu.memory_space<vmem>> -> memref<64xi32, #tpu.memory_space<vmem>>
    %dma_start3A_172 = arith.constant 0 : i32
    %dma_start3A_173 = arith.constant 0 : i32
    %dma_start3A_174 = tpu.memref_slice %arg3[%dma_start3A_172, %dma_start3A_173] : memref<100000x128xf32, #tpu.memory_space<hbm>> -> memref<100000x128xf32, #tpu.memory_space<hbm>>
    %dma_start3A_175 = tpu.memref_slice %arg11[%dma_start3A_165] : memref<4x!tpu.dma_semaphore, #tpu.memory_space<semaphore_mem>> -> memref<1x!tpu.dma_semaphore, #tpu.memory_space<semaphore_mem>>
    %dma_start3A_176 = tpu.memref_squeeze %dma_start3A_175 : memref<1x!tpu.dma_semaphore, #tpu.memory_space<semaphore_mem>> -> memref<!tpu.dma_semaphore, #tpu.memory_space<semaphore_mem>>
    tpu.enqueue_indirect_dma source(%dma_start3A_174 : memref<100000x128xf32, #tpu.memory_space<hbm>>) target(%dma_start3A_168 : memref<64x128xf32, #tpu.memory_space<vmem>>) offsets(%dma_start3A_171 : memref<64xi32, #tpu.memory_space<vmem>>) semaphore(%dma_start3A_176 : memref<!tpu.dma_semaphore, #tpu.memory_space<semaphore_mem>>)
    %dma_wait3A_177 = arith.constant 0 : i32
    %dma_wait3A_178 = tpu.memref_slice %arg4[%mul3A_2, %dma_wait3A_177] : memref<2048x128xf32, #tpu.memory_space<hbm>> -> memref<64x128xf32, #tpu.memory_space<hbm>>
    %dma_wait3A_179 = arith.constant 0 : i32
    %dma_wait3A_180 = tpu.memref_slice %arg4[%mul3A_2, %dma_wait3A_179] : memref<2048x128xf32, #tpu.memory_space<hbm>> -> memref<64x128xf32, #tpu.memory_space<hbm>>
    tpu.wait_dma2 semaphore(%arg10 : memref<!tpu.dma_semaphore, #tpu.memory_space<semaphore_mem>>) src(%dma_wait3A_180 : memref<64x128xf32, #tpu.memory_space<hbm>>) dst(%arg8 : memref<64x128xf32, #tpu.memory_space<vmem>>)
    %dma_wait3A_181 = arith.constant 0 : i32
    %dma_wait3A_182 = arith.constant 0 : i32
    %dma_wait3A_183 = arith.constant 0 : i32
    %dma_wait3A_184 = arith.constant 0 : i32
    %dma_wait3A_185 = tpu.memref_slice %arg7[%dma_wait3A_183, %dma_wait3A_184] : memref<256x128xf32, #tpu.memory_space<vmem>> -> memref<64x128xf32, #tpu.memory_space<vmem>>
    %dma_wait3A_186 = arith.constant 0 : i32
    %dma_wait3A_187 = tpu.memref_slice %arg6[%dma_wait3A_181, %dma_wait3A_186] : memref<4x64xi32, #tpu.memory_space<vmem>> -> memref<1x64xi32, #tpu.memory_space<vmem>>
    %dma_wait3A_188 = tpu.memref_squeeze %dma_wait3A_187 : memref<1x64xi32, #tpu.memory_space<vmem>> -> memref<64xi32, #tpu.memory_space<vmem>>
    %dma_wait3A_189 = arith.constant 0 : i32
    %dma_wait3A_190 = arith.constant 0 : i32
    %dma_wait3A_191 = tpu.memref_slice %arg3[%dma_wait3A_189, %dma_wait3A_190] : memref<100000x128xf32, #tpu.memory_space<hbm>> -> memref<100000x128xf32, #tpu.memory_space<hbm>>
    %dma_wait3A_192 = tpu.memref_slice %arg11[%dma_wait3A_182] : memref<4x!tpu.dma_semaphore, #tpu.memory_space<semaphore_mem>> -> memref<1x!tpu.dma_semaphore, #tpu.memory_space<semaphore_mem>>
    %dma_wait3A_193 = tpu.memref_squeeze %dma_wait3A_192 : memref<1x!tpu.dma_semaphore, #tpu.memory_space<semaphore_mem>> -> memref<!tpu.dma_semaphore, #tpu.memory_space<semaphore_mem>>
    tpu.wait_indirect_dma semaphore(%dma_wait3A_193 : memref<!tpu.dma_semaphore, #tpu.memory_space<semaphore_mem>>) src(%dma_wait3A_191 : memref<100000x128xf32, #tpu.memory_space<hbm>>) dst(%dma_wait3A_185 : memref<64x128xf32, #tpu.memory_space<vmem>>)
    %scan3A = arith.constant 0 : i32
    %scan3A_194 = arith.constant 64 : i32
    %scan3A_195 = arith.addi %scan3A, %scan3A_194 : i32
    %scan3A_196 = arith.constant 1 : i32
    scf.for %scan3A_364 = %scan3A to %scan3A_195 step %scan3A_196  : i32 {
      %mul3A_365 = arith.constant 1 : i32
      %mul3A_366 = arith.muli %scan3A_364, %mul3A_365 : i32
      %add3A_367 = arith.constant 0 : i32
      %add3A_368 = arith.addi %add3A_367, %mul3A_366 : i32
      %scan3A_369 = arith.constant 0 : i32
      %scan3A_370 = arith.constant 8 : i32
      %scan3A_371 = arith.addi %scan3A_369, %scan3A_370 : i32
      %scan3A_372 = arith.constant 1 : i32
      scf.for %scan3A_374 = %scan3A_369 to %scan3A_371 step %scan3A_372  : i32 {
        %mul3A_375 = arith.constant 16 : i32
        %mul3A_376 = arith.muli %scan3A_374, %mul3A_375 : i32
        %add3A_377 = arith.constant 0 : i32
        %add3A_378 = arith.addi %add3A_377, %mul3A_376 : i32
        %add3A_379 = arith.constant 0 : i32
        %add3A_380 = arith.addi %add3A_379, %add3A_368 : i32
        %get3A = arith.index_cast %add3A_380 : i32 to index
        %get3A_381 = arith.index_cast %add3A_378 : i32 to index
        %get3A_382 = tpu.vector_load %arg7[%get3A, %get3A_381] {strides = array<i32>} : memref<256x128xf32, #tpu.memory_space<vmem>>, vector<1x16xf32>,
        %get3A_383 = vector.shape_cast %get3A_382 : vector<1x16xf32> to vector<1x16xf32>
        %get3A_384 = arith.index_cast %add3A_368 : i32 to index
        %get3A_385 = arith.index_cast %add3A_378 : i32 to index
        %get3A_386 = tpu.vector_load %arg8[%get3A_384, %get3A_385] {strides = array<i32>} : memref<64x128xf32, #tpu.memory_space<vmem>>, vector<1x16xf32>,
        %get3A_387 = vector.shape_cast %get3A_386 : vector<1x16xf32> to vector<1x16xf32>
        %add3A_388 = arith.addf %get3A_383, %get3A_387 : vector<1x16xf32>
        %swap3A = arith.index_cast %add3A_380 : i32 to index
        %swap3A_389 = arith.index_cast %add3A_378 : i32 to index
        %swap3A_390 = tpu.vector_load %arg7[%swap3A, %swap3A_389] {strides = array<i32>} : memref<256x128xf32, #tpu.memory_space<vmem>>, vector<1x16xf32>,
        %swap3A_391 = vector.shape_cast %swap3A_390 : vector<1x16xf32> to vector<1x16xf32>
        %swap3A_392 = vector.shape_cast %add3A_388 : vector<1x16xf32> to vector<1x16xf32>
        tpu.vector_store %arg7[%swap3A, %swap3A_389], %swap3A_392 {strides = array<i32>} : memref<256x128xf32, #tpu.memory_space<vmem>>, vector<1x16xf32>,
      }
      %scan3A_373 = arith.constant 8 : i32
    }
    %scan3A_197 = arith.constant 64 : i32
    %add3A_198 = arith.constant 0 : i32
    %add3A_199 = arith.addi %add3A_198, %mul3A_2 : i32
    %dma_start3A_200 = arith.constant 0 : i32
    %dma_start3A_201 = arith.constant 0 : i32
    %dma_start3A_202 = arith.constant 0 : i32
    %dma_start3A_203 = tpu.memref_slice %arg7[%dma_start3A_201, %dma_start3A_202] : memref<256x128xf32, #tpu.memory_space<vmem>> -> memref<64x128xf32, #tpu.memory_space<vmem>>
    %dma_start3A_204 = arith.constant 0 : i32
    %dma_start3A_205 = tpu.memref_slice %arg5[%add3A_199, %dma_start3A_204] : memref<8192x128xf32, #tpu.memory_space<hbm>> -> memref<64x128xf32, #tpu.memory_space<hbm>>
    %dma_start3A_206 = tpu.memref_slice %arg12[%dma_start3A_200] : memref<4x!tpu.dma_semaphore, #tpu.memory_space<semaphore_mem>> -> memref<1x!tpu.dma_semaphore, #tpu.memory_space<semaphore_mem>>
    %dma_start3A_207 = tpu.memref_squeeze %dma_start3A_206 : memref<1x!tpu.dma_semaphore, #tpu.memory_space<semaphore_mem>> -> memref<!tpu.dma_semaphore, #tpu.memory_space<semaphore_mem>>
    %dma_start3A_208 = arith.constant 0 : i32
    %dma_start3A_209 = tpu.memref_slice %arg5[%add3A_199, %dma_start3A_208] : memref<8192x128xf32, #tpu.memory_space<hbm>> -> memref<64x128xf32, #tpu.memory_space<hbm>>
    %dma_start3A_210 = arith.constant 0 : i32
    %dma_start3A_211 = arith.constant 0 : i32
    %dma_start3A_212 = tpu.memref_slice %arg7[%dma_start3A_210, %dma_start3A_211] : memref<256x128xf32, #tpu.memory_space<vmem>> -> memref<64x128xf32, #tpu.memory_space<vmem>>
    tpu.enqueue_dma source(%dma_start3A_212 : memref<64x128xf32, #tpu.memory_space<vmem>>) target(%dma_start3A_209 : memref<64x128xf32, #tpu.memory_space<hbm>>) target_semaphore(%dma_start3A_207 : memref<!tpu.dma_semaphore, #tpu.memory_space<semaphore_mem>>)
    %dma_wait3A_213 = arith.constant 1 : i32
    %dma_wait3A_214 = arith.constant 1 : i32
    %dma_wait3A_215 = arith.constant 64 : i32
    %dma_wait3A_216 = arith.constant 0 : i32
    %dma_wait3A_217 = tpu.memref_slice %arg7[%dma_wait3A_215, %dma_wait3A_216] : memref<256x128xf32, #tpu.memory_space<vmem>> -> memref<64x128xf32, #tpu.memory_space<vmem>>
    %dma_wait3A_218 = arith.constant 0 : i32
    %dma_wait3A_219 = tpu.memref_slice %arg6[%dma_wait3A_213, %dma_wait3A_218] : memref<4x64xi32, #tpu.memory_space<vmem>> -> memref<1x64xi32, #tpu.memory_space<vmem>>
    %dma_wait3A_220 = tpu.memref_squeeze %dma_wait3A_219 : memref<1x64xi32, #tpu.memory_space<vmem>> -> memref<64xi32, #tpu.memory_space<vmem>>
    %dma_wait3A_221 = arith.constant 0 : i32
    %dma_wait3A_222 = arith.constant 0 : i32
    %dma_wait3A_223 = tpu.memref_slice %arg3[%dma_wait3A_221, %dma_wait3A_222] : memref<100000x128xf32, #tpu.memory_space<hbm>> -> memref<100000x128xf32, #tpu.memory_space<hbm>>
    %dma_wait3A_224 = tpu.memref_slice %arg11[%dma_wait3A_214] : memref<4x!tpu.dma_semaphore, #tpu.memory_space<semaphore_mem>> -> memref<1x!tpu.dma_semaphore, #tpu.memory_space<semaphore_mem>>
    %dma_wait3A_225 = tpu.memref_squeeze %dma_wait3A_224 : memref<1x!tpu.dma_semaphore, #tpu.memory_space<semaphore_mem>> -> memref<!tpu.dma_semaphore, #tpu.memory_space<semaphore_mem>>
    tpu.wait_indirect_dma semaphore(%dma_wait3A_225 : memref<!tpu.dma_semaphore, #tpu.memory_space<semaphore_mem>>) src(%dma_wait3A_223 : memref<100000x128xf32, #tpu.memory_space<hbm>>) dst(%dma_wait3A_217 : memref<64x128xf32, #tpu.memory_space<vmem>>)
    %scan3A_226 = arith.constant 0 : i32
    %scan3A_227 = arith.constant 64 : i32
    %scan3A_228 = arith.addi %scan3A_226, %scan3A_227 : i32
    %scan3A_229 = arith.constant 1 : i32
    scf.for %scan3A_364 = %scan3A_226 to %scan3A_228 step %scan3A_229  : i32 {
      %mul3A_365 = arith.constant 1 : i32
      %mul3A_366 = arith.muli %scan3A_364, %mul3A_365 : i32
      %add3A_367 = arith.constant 0 : i32
      %add3A_368 = arith.addi %add3A_367, %mul3A_366 : i32
      %scan3A_369 = arith.constant 0 : i32
      %scan3A_370 = arith.constant 8 : i32
      %scan3A_371 = arith.addi %scan3A_369, %scan3A_370 : i32
      %scan3A_372 = arith.constant 1 : i32
      scf.for %scan3A_374 = %scan3A_369 to %scan3A_371 step %scan3A_372  : i32 {
        %mul3A_375 = arith.constant 16 : i32
        %mul3A_376 = arith.muli %scan3A_374, %mul3A_375 : i32
        %add3A_377 = arith.constant 0 : i32
        %add3A_378 = arith.addi %add3A_377, %mul3A_376 : i32
        %add3A_379 = arith.constant 64 : i32
        %add3A_380 = arith.addi %add3A_379, %add3A_368 : i32
        %get3A = arith.index_cast %add3A_380 : i32 to index
        %get3A_381 = arith.index_cast %add3A_378 : i32 to index
        %get3A_382 = tpu.vector_load %arg7[%get3A, %get3A_381] {strides = array<i32>} : memref<256x128xf32, #tpu.memory_space<vmem>>, vector<1x16xf32>,
        %get3A_383 = vector.shape_cast %get3A_382 : vector<1x16xf32> to vector<1x16xf32>
        %get3A_384 = arith.index_cast %add3A_368 : i32 to index
        %get3A_385 = arith.index_cast %add3A_378 : i32 to index
        %get3A_386 = tpu.vector_load %arg8[%get3A_384, %get3A_385] {strides = array<i32>} : memref<64x128xf32, #tpu.memory_space<vmem>>, vector<1x16xf32>,
        %get3A_387 = vector.shape_cast %get3A_386 : vector<1x16xf32> to vector<1x16xf32>
        %add3A_388 = arith.addf %get3A_383, %get3A_387 : vector<1x16xf32>
        %swap3A = arith.index_cast %add3A_380 : i32 to index
        %swap3A_389 = arith.index_cast %add3A_378 : i32 to index
        %swap3A_390 = tpu.vector_load %arg7[%swap3A, %swap3A_389] {strides = array<i32>} : memref<256x128xf32, #tpu.memory_space<vmem>>, vector<1x16xf32>,
        %swap3A_391 = vector.shape_cast %swap3A_390 : vector<1x16xf32> to vector<1x16xf32>
        %swap3A_392 = vector.shape_cast %add3A_388 : vector<1x16xf32> to vector<1x16xf32>
        tpu.vector_store %arg7[%swap3A, %swap3A_389], %swap3A_392 {strides = array<i32>} : memref<256x128xf32, #tpu.memory_space<vmem>>, vector<1x16xf32>,
      }
      %scan3A_373 = arith.constant 8 : i32
    }
    %scan3A_230 = arith.constant 64 : i32
    %add3A_231 = arith.constant 2048 : i32
    %add3A_232 = arith.addi %add3A_231, %mul3A_2 : i32
    %dma_start3A_233 = arith.constant 1 : i32
    %dma_start3A_234 = arith.constant 64 : i32
    %dma_start3A_235 = arith.constant 0 : i32
    %dma_start3A_236 = tpu.memref_slice %arg7[%dma_start3A_234, %dma_start3A_235] : memref<256x128xf32, #tpu.memory_space<vmem>> -> memref<64x128xf32, #tpu.memory_space<vmem>>
    %dma_start3A_237 = arith.constant 0 : i32
    %dma_start3A_238 = tpu.memref_slice %arg5[%add3A_232, %dma_start3A_237] : memref<8192x128xf32, #tpu.memory_space<hbm>> -> memref<64x128xf32, #tpu.memory_space<hbm>>
    %dma_start3A_239 = tpu.memref_slice %arg12[%dma_start3A_233] : memref<4x!tpu.dma_semaphore, #tpu.memory_space<semaphore_mem>> -> memref<1x!tpu.dma_semaphore, #tpu.memory_space<semaphore_mem>>
    %dma_start3A_240 = tpu.memref_squeeze %dma_start3A_239 : memref<1x!tpu.dma_semaphore, #tpu.memory_space<semaphore_mem>> -> memref<!tpu.dma_semaphore, #tpu.memory_space<semaphore_mem>>
    %dma_start3A_241 = arith.constant 0 : i32
    %dma_start3A_242 = tpu.memref_slice %arg5[%add3A_232, %dma_start3A_241] : memref<8192x128xf32, #tpu.memory_space<hbm>> -> memref<64x128xf32, #tpu.memory_space<hbm>>
    %dma_start3A_243 = arith.constant 64 : i32
    %dma_start3A_244 = arith.constant 0 : i32
    %dma_start3A_245 = tpu.memref_slice %arg7[%dma_start3A_243, %dma_start3A_244] : memref<256x128xf32, #tpu.memory_space<vmem>> -> memref<64x128xf32, #tpu.memory_space<vmem>>
    tpu.enqueue_dma source(%dma_start3A_245 : memref<64x128xf32, #tpu.memory_space<vmem>>) target(%dma_start3A_242 : memref<64x128xf32, #tpu.memory_space<hbm>>) target_semaphore(%dma_start3A_240 : memref<!tpu.dma_semaphore, #tpu.memory_space<semaphore_mem>>)
    %dma_wait3A_246 = arith.constant 2 : i32
    %dma_wait3A_247 = arith.constant 2 : i32
    %dma_wait3A_248 = arith.constant 128 : i32
    %dma_wait3A_249 = arith.constant 0 : i32
    %dma_wait3A_250 = tpu.memref_slice %arg7[%dma_wait3A_248, %dma_wait3A_249] : memref<256x128xf32, #tpu.memory_space<vmem>> -> memref<64x128xf32, #tpu.memory_space<vmem>>
    %dma_wait3A_251 = arith.constant 0 : i32
    %dma_wait3A_252 = tpu.memref_slice %arg6[%dma_wait3A_246, %dma_wait3A_251] : memref<4x64xi32, #tpu.memory_space<vmem>> -> memref<1x64xi32, #tpu.memory_space<vmem>>
    %dma_wait3A_253 = tpu.memref_squeeze %dma_wait3A_252 : memref<1x64xi32, #tpu.memory_space<vmem>> -> memref<64xi32, #tpu.memory_space<vmem>>
    %dma_wait3A_254 = arith.constant 0 : i32
    %dma_wait3A_255 = arith.constant 0 : i32
    %dma_wait3A_256 = tpu.memref_slice %arg3[%dma_wait3A_254, %dma_wait3A_255] : memref<100000x128xf32, #tpu.memory_space<hbm>> -> memref<100000x128xf32, #tpu.memory_space<hbm>>
    %dma_wait3A_257 = tpu.memref_slice %arg11[%dma_wait3A_247] : memref<4x!tpu.dma_semaphore, #tpu.memory_space<semaphore_mem>> -> memref<1x!tpu.dma_semaphore, #tpu.memory_space<semaphore_mem>>
    %dma_wait3A_258 = tpu.memref_squeeze %dma_wait3A_257 : memref<1x!tpu.dma_semaphore, #tpu.memory_space<semaphore_mem>> -> memref<!tpu.dma_semaphore, #tpu.memory_space<semaphore_mem>>
    tpu.wait_indirect_dma semaphore(%dma_wait3A_258 : memref<!tpu.dma_semaphore, #tpu.memory_space<semaphore_mem>>) src(%dma_wait3A_256 : memref<100000x128xf32, #tpu.memory_space<hbm>>) dst(%dma_wait3A_250 : memref<64x128xf32, #tpu.memory_space<vmem>>)
    %scan3A_259 = arith.constant 0 : i32
    %scan3A_260 = arith.constant 64 : i32
    %scan3A_261 = arith.addi %scan3A_259, %scan3A_260 : i32
    %scan3A_262 = arith.constant 1 : i32
    scf.for %scan3A_364 = %scan3A_259 to %scan3A_261 step %scan3A_262  : i32 {
      %mul3A_365 = arith.constant 1 : i32
      %mul3A_366 = arith.muli %scan3A_364, %mul3A_365 : i32
      %add3A_367 = arith.constant 0 : i32
      %add3A_368 = arith.addi %add3A_367, %mul3A_366 : i32
      %scan3A_369 = arith.constant 0 : i32
      %scan3A_370 = arith.constant 8 : i32
      %scan3A_371 = arith.addi %scan3A_369, %scan3A_370 : i32
      %scan3A_372 = arith.constant 1 : i32
      scf.for %scan3A_374 = %scan3A_369 to %scan3A_371 step %scan3A_372  : i32 {
        %mul3A_375 = arith.constant 16 : i32
        %mul3A_376 = arith.muli %scan3A_374, %mul3A_375 : i32
        %add3A_377 = arith.constant 0 : i32
        %add3A_378 = arith.addi %add3A_377, %mul3A_376 : i32
        %add3A_379 = arith.constant 128 : i32
        %add3A_380 = arith.addi %add3A_379, %add3A_368 : i32
        %get3A = arith.index_cast %add3A_380 : i32 to index
        %get3A_381 = arith.index_cast %add3A_378 : i32 to index
        %get3A_382 = tpu.vector_load %arg7[%get3A, %get3A_381] {strides = array<i32>} : memref<256x128xf32, #tpu.memory_space<vmem>>, vector<1x16xf32>,
        %get3A_383 = vector.shape_cast %get3A_382 : vector<1x16xf32> to vector<1x16xf32>
        %get3A_384 = arith.index_cast %add3A_368 : i32 to index
        %get3A_385 = arith.index_cast %add3A_378 : i32 to index
        %get3A_386 = tpu.vector_load %arg8[%get3A_384, %get3A_385] {strides = array<i32>} : memref<64x128xf32, #tpu.memory_space<vmem>>, vector<1x16xf32>,
        %get3A_387 = vector.shape_cast %get3A_386 : vector<1x16xf32> to vector<1x16xf32>
        %add3A_388 = arith.addf %get3A_383, %get3A_387 : vector<1x16xf32>
        %swap3A = arith.index_cast %add3A_380 : i32 to index
        %swap3A_389 = arith.index_cast %add3A_378 : i32 to index
        %swap3A_390 = tpu.vector_load %arg7[%swap3A, %swap3A_389] {strides = array<i32>} : memref<256x128xf32, #tpu.memory_space<vmem>>, vector<1x16xf32>,
        %swap3A_391 = vector.shape_cast %swap3A_390 : vector<1x16xf32> to vector<1x16xf32>
        %swap3A_392 = vector.shape_cast %add3A_388 : vector<1x16xf32> to vector<1x16xf32>
        tpu.vector_store %arg7[%swap3A, %swap3A_389], %swap3A_392 {strides = array<i32>} : memref<256x128xf32, #tpu.memory_space<vmem>>, vector<1x16xf32>,
      }
      %scan3A_373 = arith.constant 8 : i32
    }
    %scan3A_263 = arith.constant 64 : i32
    %add3A_264 = arith.constant 4096 : i32
    %add3A_265 = arith.addi %add3A_264, %mul3A_2 : i32
    %dma_start3A_266 = arith.constant 2 : i32
    %dma_start3A_267 = arith.constant 128 : i32
    %dma_start3A_268 = arith.constant 0 : i32
    %dma_start3A_269 = tpu.memref_slice %arg7[%dma_start3A_267, %dma_start3A_268] : memref<256x128xf32, #tpu.memory_space<vmem>> -> memref<64x128xf32, #tpu.memory_space<vmem>>
    %dma_start3A_270 = arith.constant 0 : i32
    %dma_start3A_271 = tpu.memref_slice %arg5[%add3A_265, %dma_start3A_270] : memref<8192x128xf32, #tpu.memory_space<hbm>> -> memref<64x128xf32, #tpu.memory_space<hbm>>
    %dma_start3A_272 = tpu.memref_slice %arg12[%dma_start3A_266] : memref<4x!tpu.dma_semaphore, #tpu.memory_space<semaphore_mem>> -> memref<1x!tpu.dma_semaphore, #tpu.memory_space<semaphore_mem>>
    %dma_start3A_273 = tpu.memref_squeeze %dma_start3A_272 : memref<1x!tpu.dma_semaphore, #tpu.memory_space<semaphore_mem>> -> memref<!tpu.dma_semaphore, #tpu.memory_space<semaphore_mem>>
    %dma_start3A_274 = arith.constant 0 : i32
    %dma_start3A_275 = tpu.memref_slice %arg5[%add3A_265, %dma_start3A_274] : memref<8192x128xf32, #tpu.memory_space<hbm>> -> memref<64x128xf32, #tpu.memory_space<hbm>>
    %dma_start3A_276 = arith.constant 128 : i32
    %dma_start3A_277 = arith.constant 0 : i32
    %dma_start3A_278 = tpu.memref_slice %arg7[%dma_start3A_276, %dma_start3A_277] : memref<256x128xf32, #tpu.memory_space<vmem>> -> memref<64x128xf32, #tpu.memory_space<vmem>>
    tpu.enqueue_dma source(%dma_start3A_278 : memref<64x128xf32, #tpu.memory_space<vmem>>) target(%dma_start3A_275 : memref<64x128xf32, #tpu.memory_space<hbm>>) target_semaphore(%dma_start3A_273 : memref<!tpu.dma_semaphore, #tpu.memory_space<semaphore_mem>>)
    %dma_wait3A_279 = arith.constant 3 : i32
    %dma_wait3A_280 = arith.constant 3 : i32
    %dma_wait3A_281 = arith.constant 192 : i32
    %dma_wait3A_282 = arith.constant 0 : i32
    %dma_wait3A_283 = tpu.memref_slice %arg7[%dma_wait3A_281, %dma_wait3A_282] : memref<256x128xf32, #tpu.memory_space<vmem>> -> memref<64x128xf32, #tpu.memory_space<vmem>>
    %dma_wait3A_284 = arith.constant 0 : i32
    %dma_wait3A_285 = tpu.memref_slice %arg6[%dma_wait3A_279, %dma_wait3A_284] : memref<4x64xi32, #tpu.memory_space<vmem>> -> memref<1x64xi32, #tpu.memory_space<vmem>>
    %dma_wait3A_286 = tpu.memref_squeeze %dma_wait3A_285 : memref<1x64xi32, #tpu.memory_space<vmem>> -> memref<64xi32, #tpu.memory_space<vmem>>
    %dma_wait3A_287 = arith.constant 0 : i32
    %dma_wait3A_288 = arith.constant 0 : i32
    %dma_wait3A_289 = tpu.memref_slice %arg3[%dma_wait3A_287, %dma_wait3A_288] : memref<100000x128xf32, #tpu.memory_space<hbm>> -> memref<100000x128xf32, #tpu.memory_space<hbm>>
    %dma_wait3A_290 = tpu.memref_slice %arg11[%dma_wait3A_280] : memref<4x!tpu.dma_semaphore, #tpu.memory_space<semaphore_mem>> -> memref<1x!tpu.dma_semaphore, #tpu.memory_space<semaphore_mem>>
    %dma_wait3A_291 = tpu.memref_squeeze %dma_wait3A_290 : memref<1x!tpu.dma_semaphore, #tpu.memory_space<semaphore_mem>> -> memref<!tpu.dma_semaphore, #tpu.memory_space<semaphore_mem>>
    tpu.wait_indirect_dma semaphore(%dma_wait3A_291 : memref<!tpu.dma_semaphore, #tpu.memory_space<semaphore_mem>>) src(%dma_wait3A_289 : memref<100000x128xf32, #tpu.memory_space<hbm>>) dst(%dma_wait3A_283 : memref<64x128xf32, #tpu.memory_space<vmem>>)
    %scan3A_292 = arith.constant 0 : i32
    %scan3A_293 = arith.constant 64 : i32
    %scan3A_294 = arith.addi %scan3A_292, %scan3A_293 : i32
    %scan3A_295 = arith.constant 1 : i32
    scf.for %scan3A_364 = %scan3A_292 to %scan3A_294 step %scan3A_295  : i32 {
      %mul3A_365 = arith.constant 1 : i32
      %mul3A_366 = arith.muli %scan3A_364, %mul3A_365 : i32
      %add3A_367 = arith.constant 0 : i32
      %add3A_368 = arith.addi %add3A_367, %mul3A_366 : i32
      %scan3A_369 = arith.constant 0 : i32
      %scan3A_370 = arith.constant 8 : i32
      %scan3A_371 = arith.addi %scan3A_369, %scan3A_370 : i32
      %scan3A_372 = arith.constant 1 : i32
      scf.for %scan3A_374 = %scan3A_369 to %scan3A_371 step %scan3A_372  : i32 {
        %mul3A_375 = arith.constant 16 : i32
        %mul3A_376 = arith.muli %scan3A_374, %mul3A_375 : i32
        %add3A_377 = arith.constant 0 : i32
        %add3A_378 = arith.addi %add3A_377, %mul3A_376 : i32
        %add3A_379 = arith.constant 192 : i32
        %add3A_380 = arith.addi %add3A_379, %add3A_368 : i32
        %get3A = arith.index_cast %add3A_380 : i32 to index
        %get3A_381 = arith.index_cast %add3A_378 : i32 to index
        %get3A_382 = tpu.vector_load %arg7[%get3A, %get3A_381] {strides = array<i32>} : memref<256x128xf32, #tpu.memory_space<vmem>>, vector<1x16xf32>,
        %get3A_383 = vector.shape_cast %get3A_382 : vector<1x16xf32> to vector<1x16xf32>
        %get3A_384 = arith.index_cast %add3A_368 : i32 to index
        %get3A_385 = arith.index_cast %add3A_378 : i32 to index
        %get3A_386 = tpu.vector_load %arg8[%get3A_384, %get3A_385] {strides = array<i32>} : memref<64x128xf32, #tpu.memory_space<vmem>>, vector<1x16xf32>,
        %get3A_387 = vector.shape_cast %get3A_386 : vector<1x16xf32> to vector<1x16xf32>
        %add3A_388 = arith.addf %get3A_383, %get3A_387 : vector<1x16xf32>
        %swap3A = arith.index_cast %add3A_380 : i32 to index
        %swap3A_389 = arith.index_cast %add3A_378 : i32 to index
        %swap3A_390 = tpu.vector_load %arg7[%swap3A, %swap3A_389] {strides = array<i32>} : memref<256x128xf32, #tpu.memory_space<vmem>>, vector<1x16xf32>,
        %swap3A_391 = vector.shape_cast %swap3A_390 : vector<1x16xf32> to vector<1x16xf32>
        %swap3A_392 = vector.shape_cast %add3A_388 : vector<1x16xf32> to vector<1x16xf32>
        tpu.vector_store %arg7[%swap3A, %swap3A_389], %swap3A_392 {strides = array<i32>} : memref<256x128xf32, #tpu.memory_space<vmem>>, vector<1x16xf32>,
      }
      %scan3A_373 = arith.constant 8 : i32
    }
    %scan3A_296 = arith.constant 64 : i32
    %add3A_297 = arith.constant 6144 : i32
    %add3A_298 = arith.addi %add3A_297, %mul3A_2 : i32
    %dma_start3A_299 = arith.constant 3 : i32
    %dma_start3A_300 = arith.constant 192 : i32
    %dma_start3A_301 = arith.constant 0 : i32
    %dma_start3A_302 = tpu.memref_slice %arg7[%dma_start3A_300, %dma_start3A_301] : memref<256x128xf32, #tpu.memory_space<vmem>> -> memref<64x128xf32, #tpu.memory_space<vmem>>
    %dma_start3A_303 = arith.constant 0 : i32
    %dma_start3A_304 = tpu.memref_slice %arg5[%add3A_298, %dma_start3A_303] : memref<8192x128xf32, #tpu.memory_space<hbm>> -> memref<64x128xf32, #tpu.memory_space<hbm>>
    %dma_start3A_305 = tpu.memref_slice %arg12[%dma_start3A_299] : memref<4x!tpu.dma_semaphore, #tpu.memory_space<semaphore_mem>> -> memref<1x!tpu.dma_semaphore, #tpu.memory_space<semaphore_mem>>
    %dma_start3A_306 = tpu.memref_squeeze %dma_start3A_305 : memref<1x!tpu.dma_semaphore, #tpu.memory_space<semaphore_mem>> -> memref<!tpu.dma_semaphore, #tpu.memory_space<semaphore_mem>>
    %dma_start3A_307 = arith.constant 0 : i32
    %dma_start3A_308 = tpu.memref_slice %arg5[%add3A_298, %dma_start3A_307] : memref<8192x128xf32, #tpu.memory_space<hbm>> -> memref<64x128xf32, #tpu.memory_space<hbm>>
    %dma_start3A_309 = arith.constant 192 : i32
    %dma_start3A_310 = arith.constant 0 : i32
    %dma_start3A_311 = tpu.memref_slice %arg7[%dma_start3A_309, %dma_start3A_310] : memref<256x128xf32, #tpu.memory_space<vmem>> -> memref<64x128xf32, #tpu.memory_space<vmem>>
    tpu.enqueue_dma source(%dma_start3A_311 : memref<64x128xf32, #tpu.memory_space<vmem>>) target(%dma_start3A_308 : memref<64x128xf32, #tpu.memory_space<hbm>>) target_semaphore(%dma_start3A_306 : memref<!tpu.dma_semaphore, #tpu.memory_space<semaphore_mem>>)
    %dma_wait3A_312 = arith.constant 0 : i32
    %dma_wait3A_313 = arith.constant 0 : i32
    %dma_wait3A_314 = arith.constant 0 : i32
    %dma_wait3A_315 = tpu.memref_slice %arg7[%dma_wait3A_313, %dma_wait3A_314] : memref<256x128xf32, #tpu.memory_space<vmem>> -> memref<64x128xf32, #tpu.memory_space<vmem>>
    %dma_wait3A_316 = arith.constant 0 : i32
    %dma_wait3A_317 = tpu.memref_slice %arg5[%add3A_199, %dma_wait3A_316] : memref<8192x128xf32, #tpu.memory_space<hbm>> -> memref<64x128xf32, #tpu.memory_space<hbm>>
    %dma_wait3A_318 = tpu.memref_slice %arg12[%dma_wait3A_312] : memref<4x!tpu.dma_semaphore, #tpu.memory_space<semaphore_mem>> -> memref<1x!tpu.dma_semaphore, #tpu.memory_space<semaphore_mem>>
    %dma_wait3A_319 = tpu.memref_squeeze %dma_wait3A_318 : memref<1x!tpu.dma_semaphore, #tpu.memory_space<semaphore_mem>> -> memref<!tpu.dma_semaphore, #tpu.memory_space<semaphore_mem>>
    %dma_wait3A_320 = arith.constant 0 : i32
    %dma_wait3A_321 = tpu.memref_slice %arg5[%add3A_199, %dma_wait3A_320] : memref<8192x128xf32, #tpu.memory_space<hbm>> -> memref<64x128xf32, #tpu.memory_space<hbm>>
    %dma_wait3A_322 = arith.constant 0 : i32
    %dma_wait3A_323 = arith.constant 0 : i32
    %dma_wait3A_324 = tpu.memref_slice %arg7[%dma_wait3A_322, %dma_wait3A_323] : memref<256x128xf32, #tpu.memory_space<vmem>> -> memref<64x128xf32, #tpu.memory_space<vmem>>
    tpu.wait_dma2 semaphore(%dma_wait3A_319 : memref<!tpu.dma_semaphore, #tpu.memory_space<semaphore_mem>>) src(%dma_wait3A_324 : memref<64x128xf32, #tpu.memory_space<vmem>>) dst(%dma_wait3A_321 : memref<64x128xf32, #tpu.memory_space<hbm>>)
    %dma_wait3A_325 = arith.constant 1 : i32
    %dma_wait3A_326 = arith.constant 64 : i32
    %dma_wait3A_327 = arith.constant 0 : i32
    %dma_wait3A_328 = tpu.memref_slice %arg7[%dma_wait3A_326, %dma_wait3A_327] : memref<256x128xf32, #tpu.memory_space<vmem>> -> memref<64x128xf32, #tpu.memory_space<vmem>>
    %dma_wait3A_329 = arith.constant 0 : i32
    %dma_wait3A_330 = tpu.memref_slice %arg5[%add3A_232, %dma_wait3A_329] : memref<8192x128xf32, #tpu.memory_space<hbm>> -> memref<64x128xf32, #tpu.memory_space<hbm>>
    %dma_wait3A_331 = tpu.memref_slice %arg12[%dma_wait3A_325] : memref<4x!tpu.dma_semaphore, #tpu.memory_space<semaphore_mem>> -> memref<1x!tpu.dma_semaphore, #tpu.memory_space<semaphore_mem>>
    %dma_wait3A_332 = tpu.memref_squeeze %dma_wait3A_331 : memref<1x!tpu.dma_semaphore, #tpu.memory_space<semaphore_mem>> -> memref<!tpu.dma_semaphore, #tpu.memory_space<semaphore_mem>>
    %dma_wait3A_333 = arith.constant 0 : i32
    %dma_wait3A_334 = tpu.memref_slice %arg5[%add3A_232, %dma_wait3A_333] : memref<8192x128xf32, #tpu.memory_space<hbm>> -> memref<64x128xf32, #tpu.memory_space<hbm>>
    %dma_wait3A_335 = arith.constant 64 : i32
    %dma_wait3A_336 = arith.constant 0 : i32
    %dma_wait3A_337 = tpu.memref_slice %arg7[%dma_wait3A_335, %dma_wait3A_336] : memref<256x128xf32, #tpu.memory_space<vmem>> -> memref<64x128xf32, #tpu.memory_space<vmem>>
    tpu.wait_dma2 semaphore(%dma_wait3A_332 : memref<!tpu.dma_semaphore, #tpu.memory_space<semaphore_mem>>) src(%dma_wait3A_337 : memref<64x128xf32, #tpu.memory_space<vmem>>) dst(%dma_wait3A_334 : memref<64x128xf32, #tpu.memory_space<hbm>>)
    %dma_wait3A_338 = arith.constant 2 : i32
    %dma_wait3A_339 = arith.constant 128 : i32
    %dma_wait3A_340 = arith.constant 0 : i32
    %dma_wait3A_341 = tpu.memref_slice %arg7[%dma_wait3A_339, %dma_wait3A_340] : memref<256x128xf32, #tpu.memory_space<vmem>> -> memref<64x128xf32, #tpu.memory_space<vmem>>
    %dma_wait3A_342 = arith.constant 0 : i32
    %dma_wait3A_343 = tpu.memref_slice %arg5[%add3A_265, %dma_wait3A_342] : memref<8192x128xf32, #tpu.memory_space<hbm>> -> memref<64x128xf32, #tpu.memory_space<hbm>>
    %dma_wait3A_344 = tpu.memref_slice %arg12[%dma_wait3A_338] : memref<4x!tpu.dma_semaphore, #tpu.memory_space<semaphore_mem>> -> memref<1x!tpu.dma_semaphore, #tpu.memory_space<semaphore_mem>>
    %dma_wait3A_345 = tpu.memref_squeeze %dma_wait3A_344 : memref<1x!tpu.dma_semaphore, #tpu.memory_space<semaphore_mem>> -> memref<!tpu.dma_semaphore, #tpu.memory_space<semaphore_mem>>
    %dma_wait3A_346 = arith.constant 0 : i32
    %dma_wait3A_347 = tpu.memref_slice %arg5[%add3A_265, %dma_wait3A_346] : memref<8192x128xf32, #tpu.memory_space<hbm>> -> memref<64x128xf32, #tpu.memory_space<hbm>>
    %dma_wait3A_348 = arith.constant 128 : i32
    %dma_wait3A_349 = arith.constant 0 : i32
    %dma_wait3A_350 = tpu.memref_slice %arg7[%dma_wait3A_348, %dma_wait3A_349] : memref<256x128xf32, #tpu.memory_space<vmem>> -> memref<64x128xf32, #tpu.memory_space<vmem>>
    tpu.wait_dma2 semaphore(%dma_wait3A_345 : memref<!tpu.dma_semaphore, #tpu.memory_space<semaphore_mem>>) src(%dma_wait3A_350 : memref<64x128xf32, #tpu.memory_space<vmem>>) dst(%dma_wait3A_347 : memref<64x128xf32, #tpu.memory_space<hbm>>)
    %dma_wait3A_351 = arith.constant 3 : i32
    %dma_wait3A_352 = arith.constant 192 : i32
    %dma_wait3A_353 = arith.constant 0 : i32
    %dma_wait3A_354 = tpu.memref_slice %arg7[%dma_wait3A_352, %dma_wait3A_353] : memref<256x128xf32, #tpu.memory_space<vmem>> -> memref<64x128xf32, #tpu.memory_space<vmem>>
    %dma_wait3A_355 = arith.constant 0 : i32
    %dma_wait3A_356 = tpu.memref_slice %arg5[%add3A_298, %dma_wait3A_355] : memref<8192x128xf32, #tpu.memory_space<hbm>> -> memref<64x128xf32, #tpu.memory_space<hbm>>
    %dma_wait3A_357 = tpu.memref_slice %arg12[%dma_wait3A_351] : memref<4x!tpu.dma_semaphore, #tpu.memory_space<semaphore_mem>> -> memref<1x!tpu.dma_semaphore, #tpu.memory_space<semaphore_mem>>
    %dma_wait3A_358 = tpu.memref_squeeze %dma_wait3A_357 : memref<1x!tpu.dma_semaphore, #tpu.memory_space<semaphore_mem>> -> memref<!tpu.dma_semaphore, #tpu.memory_space<semaphore_mem>>
    %dma_wait3A_359 = arith.constant 0 : i32
    %dma_wait3A_360 = tpu.memref_slice %arg5[%add3A_298, %dma_wait3A_359] : memref<8192x128xf32, #tpu.memory_space<hbm>> -> memref<64x128xf32, #tpu.memory_space<hbm>>
    %dma_wait3A_361 = arith.constant 192 : i32
    %dma_wait3A_362 = arith.constant 0 : i32
    %dma_wait3A_363 = tpu.memref_slice %arg7[%dma_wait3A_361, %dma_wait3A_362] : memref<256x128xf32, #tpu.memory_space<vmem>> -> memref<64x128xf32, #tpu.memory_space<vmem>>
    tpu.wait_dma2 semaphore(%dma_wait3A_358 : memref<!tpu.dma_semaphore, #tpu.memory_space<semaphore_mem>>) src(%dma_wait3A_363 : memref<64x128xf32, #tpu.memory_space<vmem>>) dst(%dma_wait3A_360 : memref<64x128xf32, #tpu.memory_space<hbm>>)
    return
  }
}

</mosaic_0001>

<sc_bundles>
// kernel: kernel.3.cloned.1.call-start
scs
__scs_entry_jumppad:
0x0: {  	(pc) =	sbr.rel $0x88, $3  }
0x1: {  	(tag) =	ssettag $0x0;
	lr =	simm.s32 $0x1  }
0x2: {  	[smem:$0x3F9E] =	sst lr;
	_ =	strace $0xD0000000  }
0x3: {  	_ = 	snop  }
0x4: {  	_ = 	snop  }
0x5: {  	_ = 	snop  }
0x6: {  	_ = 	snop  }
0x7: {  	_ = 	snop  }
__scs_overlays_trampoline_lowered:
0x8: {  	[smem:$0x3FAD] =	sst s0  }
0x9: {  	[smem:$0x3FAE] =	sst s1  }
0xa: {  	[smem:$0x3FAF] =	sst s2  }
0xb: {  	[smem:$0x3FB0] =	sst s3  }
0xc: {  	[smem:$0x3FB1] =	sst s4  }
0xd: {  	[smem:$0x3FB2] =	sst s5  }
0xe: {  	[smem:$0x3FB3] =	sst s6  }
0xf: {  	[smem:$0x3FB4] =	sst s7  }
0x10: {  	[smem:$0x3FB5] =	sst s8  }
0x11: {  	[smem:$0x3FB6] =	sst s9;
	s0 =	simm.s32 @!p0 $0x0  }
0x12: {  	s1 =	sld [smem:$0x3F9C];
	s0 =	simm.s32 @p0 $0x1  }
0x13: {  	[smem:$0x3FB7] =	sst s0;
	s0 =	simm.s32 @!p1 $0x0  }
0x14: {  	s2 =	sld [smem:$0x3F9B];
	s0 =	simm.s32 @p1 $0x1  }
0x15: {  	[smem:$0x3FB8] =	sst s0;
	s0 =	simm.s32 @!p2 $0x0  }
0x16: {  	s3 =	sld [smem:$0x3FDB];
	s0 =	simm.s32 @p2 $0x1  }
0x17: {  	s4 =	simm.s32 $0x1BF5;
	[smem:$0x3FBA] =	sst s0  }
0x18: {  	s0 =	sld [smem:$0x3F9D];
	_ =	swait.ge [sflag:s4], $0x0  }
0x19: {  	s7 =	sld [smem:$0x3F9E]  }
0x1a: {  	s8 =	sadd.s32 $0xFFFFE003, lr  }
0x1b: {  	s9 =	sadd.s32 $0xFFFFFEF7, lr;
	s5 =	simm.s32 $0xFFFFFFFF;
	p2 =	slt.u32 s8, $0xFFFFF086  }
0x1c: {  	p1 =	slt.u32 s9, $0xF7A;
	s5 =	simm.s32 @!p2 $0x0  }
0x1d: {  	s5 =	simm.s32 @p1 $0x1;
	p0 =	seq.s32 s7, s2  }
0x1e: {  	s7 =	smul.u32 @!p0 $0xF7A, s2;
	p2 =	seq.s32 @!p0 s5, $0x0  }
0x1f: {  	s9 =	smul.u32 $0xF7A, s1;
	s8 =	simm.s32 @!p0 $0x1BF5;
	p2 =	por !p2, p0  }
0x20: {  	[sflag:s8] =	ssyncset.s32 @!p0 $0xFFFFF086;
	s6 =	sadd.s32 @!p0 s3, s7;
	s7 =	simm.s32 @!p0 $0x108  }
0x21: {  	s3 =	sadd.s32 s3, s9;
	s6 =	sadd.s32 @!p0 $0x88, s6;
	s7 =	simm.s32 @p2 $0x1082  }
0x22: {  	[simem:s7], [sflag:s8] =	dma.local @!p0 [hbm:s6], $0xF7A  }
0x23: {  	s9 =	sor.u32 $0xD0000000, s2;
	s6 =	simm.s32 $0x108;
	_ =	swait.ge @!p0 [sflag:s8], $0x0  }
0x24: {  	s3 =	sadd.s32 $0x88, s3;
	s6 =	simm.s32 @!p1 $0x1082;
	[sflag:s4] =	ssyncset.s32 $0xFFFFF086  }
0x25: {  	[simem:s6], [sflag:s4] =	dma.local [hbm:s3], $0xF7A  }
0x26: {  	[smem:$0x3F9E] =	sst s1;
	(tag) =	ssettag s2;
	_ =	strace s9  }
0x27: {  	s1 =	sld [smem:$0x3FAE]  }
0x28: {  	s2 =	sld [smem:$0x3FAF]  }
0x29: {  	s4 =	sld [smem:$0x3FB1]  }
0x2a: {  	p0 =	seq.s32 s5, $0x0;
	s5 =	sld [smem:$0x3FB2]  }
0x2b: {  	s6 =	sld [smem:$0x3FB3]  }
0x2c: {  	s7 =	sld [smem:$0x3FB4]  }
0x2d: {  	s3 =	simm.s32 $0x108;
	s8 =	sld [smem:$0x3FB5]  }
0x2e: {  	s3 =	simm.s32 @!p0 $0x1082;
	s9 =	sld [smem:$0x3FB6]  }
0x2f: {  	lr =	sadd.s32 s0, s3;
	s0 =	sld [smem:$0x3FAD]  }
0x30: {  	s3 =	sld [smem:$0x3FB0]  }
0x31: {  	[smem:$0x3FB9] =	sst s10  }
0x32: {  	s10 =	sld [smem:$0x3FB7];
	_ =	sdelay $0x3  }
0x33: {  	p0 =	seq.s32 s10, $0x1;
	s10 =	sld [smem:$0x3FB9];
	_ =	sdelay $0x3  }
0x34: {  	[smem:$0x3FB9] =	sst s10  }
0x35: {  	s10 =	sld [smem:$0x3FB8];
	_ =	sdelay $0x3  }
0x36: {  	p1 =	seq.s32 s10, $0x1;
	s10 =	sld [smem:$0x3FB9];
	_ =	sdelay $0x3  }
0x37: {  	[smem:$0x3FB9] =	sst s10  }
0x38: {  	s10 =	sld [smem:$0x3FBA]  }
0x39: {  	_ = 	snop;
	(pc) =	sbr.ind lr, $3  }
0x3a: {  	_ = 	snop  }
0x3b: {  	_ = 	snop  }
0x3c: {  	p2 =	seq.s32 s10, $0x1;
	s10 =	sld [smem:$0x3FB9]  }
0x3d: {  	_ =	shalt  }
0x3e: {  	_ =	shalt  }
0x3f: {  	_ =	shalt  }
0x40: {  	_ =	shalt  }
0x41: {  	_ =	shalt  }
0x42: {  	_ =	shalt  }
0x43: {  	_ =	shalt  }
0x44: {  	_ =	shalt  }
0x45: {  	_ =	shalt  }
0x46: {  	_ =	shalt  }
0x47: {  	_ =	shalt  }
0x48: {  	_ =	shalt  }
0x49: {  	_ =	shalt  }
0x4a: {  	_ =	shalt  }
0x4b: {  	_ =	shalt  }
0x4c: {  	_ =	shalt  }
0x4d: {  	_ =	shalt  }
0x4e: {  	_ =	shalt  }
0x4f: {  	_ =	shalt  }
0x50: {  	_ =	shalt  }
0x51: {  	_ =	shalt  }
0x52: {  	_ =	shalt  }
0x53: {  	_ =	shalt  }
0x54: {  	_ =	shalt  }
0x55: {  	_ =	shalt  }
0x56: {  	_ =	shalt  }
0x57: {  	_ =	shalt  }
0x58: {  	_ =	shalt  }
0x59: {  	_ =	shalt  }
0x5a: {  	_ =	shalt  }
0x5b: {  	_ =	shalt  }
0x5c: {  	_ =	shalt  }
0x5d: {  	_ =	shalt  }
0x5e: {  	_ =	shalt  }
0x5f: {  	_ =	shalt  }
0x60: {  	_ =	shalt  }
0x61: {  	_ =	shalt  }
0x62: {  	_ =	shalt  }
0x63: {  	_ =	shalt  }
0x64: {  	_ =	shalt  }
0x65: {  	_ =	shalt  }
0x66: {  	_ =	shalt  }
0x67: {  	_ =	shalt  }
0x68: {  	_ =	shalt  }
0x69: {  	_ =	shalt  }
0x6a: {  	_ =	shalt  }
0x6b: {  	_ =	shalt  }
0x6c: {  	_ =	shalt  }
0x6d: {  	_ =	shalt  }
0x6e: {  	_ =	shalt  }
0x6f: {  	_ =	shalt  }
0x70: {  	_ =	shalt  }
0x71: {  	_ =	shalt  }
0x72: {  	_ =	shalt  }
0x73: {  	_ =	shalt  }
0x74: {  	_ =	shalt  }
0x75: {  	_ =	shalt  }
0x76: {  	_ =	shalt  }
0x77: {  	_ =	shalt  }
0x78: {  	_ =	shalt  }
0x79: {  	_ =	shalt  }
0x7a: {  	_ =	shalt  }
0x7b: {  	_ =	shalt  }
0x7c: {  	_ =	shalt  }
0x7d: {  	_ =	shalt  }
0x7e: {  	_ =	shalt  }
0x7f: {  	_ =	shalt  }
0x80: {  	_ =	shalt  }
0x81: {  	_ =	shalt  }
0x82: {  	_ =	shalt  }
0x83: {  	_ =	shalt  }
0x84: {  	_ =	shalt  }
0x85: {  	_ =	shalt  }
0x86: {  	_ =	shalt  }
0x87: {  	_ =	shalt  }
.Lfunc_end0:
.L_simem_size_0:
called_computation_lowered:
.L_overlay_start_0:
0x88: {  	s2 =	sld [smem:$0x3FD9]  }
0x89: {  	s3 =	sld [smem:$0x3FFE];
	_ =	sdelay $0x1  }
0x8a: {  	s1 =	srdreg.scid  }
0x8b: {  	s0 =	sand.u32 $0x1, s1  }
0x8c: {  	s18 =	sshll.u32 s0, $0xA;
	s2 =	sadd.s32 s3, s2  }
0x8d: {  	s2 =	sadd.s32 s2, s18  }
0x8e: {  	[smem:$0x3FC5] =	sst s2  }
0x8f: {  	_ = 	snop  }
0x90: {  	s2 =	sld [smem:$0x3FC9]  }
0x91: {  	s19 =	sld [smem:$0x3FC8]  }
0x92: {  	s4 =	sld [smem:$0x3FC7]  }
0x93: {  	s5 =	sld [smem:$0x3FD0];
	(tm) =	ssettm $0x1  }
0x94: {  	s6 =	sld [smem:$0x3FFB];
	_ =	sdelay $0x3  }
0x95: {  	_ =	strace s6  }
0x96: {  	s6 =	sld [smem:$0x3FFC];
	_ =	sdelay $0x3  }
0x97: {  	_ =	strace s6  }
0x98: {  	s6 =	sld [smem:$0x3FFD];
	_ =	sdelay $0x3  }
0x99: {  	_ =	strace s6  }
0x9a: {  	_ =	strace $0x8FFFFFFF  }
0x9b: {  	s20 =	sld [smem:$0x3FDB];
	_ =	sdelay $0x1  }
0x9c: {  	s7 =	simm.s32 $_scs_section_size  }
0x9d: {  	s8 =	simm.s32 $_size__tile_overlayer_lowered;
	s9 =	simm.s32 $_tile_overlayer_lowered  }
0x9e: {  	s23 =	simm.s32 $0x1BFF;
	s22 =	sshll.u32 s9, $0x1;
	s6 =	sadd.s32 s7, s20  }
0x9f: {  	s10 =	simm.s32 $0x0;
	s21 =	sshll.u32 s8, $0x1;
	s8 =	sadd.s32 s22, s6  }
0xa0: {  	[timem:s10], [sflag:s23] =	dma.local [hbm:s8], s21  }
0xa1: {  	_ =	swait.ge [sflag:s23], s21  }
0xa2: {  	s7 =	ssub.s32 $0x0, s21;
	[sflag:s23] =	ssyncset.done $0x0  }
0xa3: {  	[sflag:s23] =	ssyncadd.s32 s7;
	_ =	sdelay $0x1  }
0xa4: {  	s24 =	simm.s32 $0x1B8B  }
0xa5: {  	_ =	swait.ge [sflag:s24], $0x1  }
0xa6: {  	[sflag:s24] =	ssyncset.done $0x0  }
0xa7: {  	s25 =	simm.s32 $0x1B8E;
	[sflag:s24] =	ssyncadd.s32 $0xFFFFFFFF  }
0xa8: {  	s26 =	simm.s32 $execute0_lowered;
	[smem:$0x3FD2] =	sst s25  }
0xa9: {  	s7 =	sshll.u32 s26, $0x1;
	_ =	strace $0x80000046;
	[dreg:$0x1] =	wrdreg $0xFFFFFFFF  }
0xaa: {  	s28 =	simm.s32 $_size_execute0_lowered;
	s6 =	sadd.s32 s6, s7;
	[dreg:$0x0] =	wrdreg $0x0  }
0xab: {  	s7 =	sshll.u32 s28, $0x1;
	[dreg:$0x2] =	wrdreg s6  }
0xac: {  	[dreg:$0x3] =	wrdreg s7  }
0xad: {  	[dreg:$0x4] =	wrdreg $0xC0  }
0xae: {  	_ =	task [dreg:s10], $0x5FFFF  }
0xaf: {  	[dreg:$0x1] =	wrdreg $0xFFFFFFFF  }
0xb0: {  	[dreg:$0x0] =	wrdreg $0x60  }
0xb1: {  	[dreg:$0x2] =	wrdreg s2  }
0xb2: {  	[dreg:$0x3] =	wrdreg s19  }
0xb3: {  	[dreg:$0x4] =	wrdreg s4  }
0xb4: {  	[dreg:$0x5] =	wrdreg s5  }
0xb5: {  	[dreg:$0x6] =	wrdreg $0x9  }
0xb6: {  	_ =	task.clear_ibuf [dreg:s10], $0x7FFFF;
	_ =	strace $0x90000046  }
0xb7: {  	s29 =	simm.s32 $0x9;
	_ =	strace $0x80000048  }
0xb8: {  	_ =	swait.ge [sflag:s29], $0x1  }
0xb9: {  	[sflag:s29] =	ssyncadd.s32 $0xFFFFFFFF  }
0xba: {  	_ =	strace $0x90000048  }
0xbb: {  	_ =	sfence  }
0xbc: {  	s30 =	sld [smem:$0x0];
	_ =	sdelay $0x2  }
0xbd: {  	s31 =	sshll.u32 s1, $0xD;
	s1 =	sshrl.u32 s1, $0x2  }
0xbe: {  	s3 =	sand.u32 $0x4000, s31;
	s1 =	sadd.s32 s1, s30  }
0xbf: {  	s0 =	sor.u32 s3, s0;
	s1 =	sshll.u32 s1, $0x11  }
0xc0: {  	s0 =	sor.u32 s1, s0  }
0xc1: {  	s0 =	sadd.s32 $0x8F2B, s0  }
0xc2: {  	[sflag:s0] =	ssyncadd.remote.s32 $0x1  }
0xc3: {  	_ =	sfence.sel $0xFFFF  }
0xc4: {  	[dreg:$0x0] =	wrdreg $0xFFFFFFFF;
	(pc) =	sbr.abs _section_cstart, $3  }
0xc5: {  	[dreg:$0x1] =	wrdreg $0xFFFFFFFF  }
0xc6: {  	_ =	task.clear_ibuf [dreg:s10], $0x2FFFF;
	_ =	strace $0x9FFFFFFF  }
0xc7: {  	(tm) =	ssettm $0x7FFFFFFF  }
tec
execute0_lowered:
.L_overlay_start_1:
0x0: {  	(tag) =	ssettag $0x1  }
0x1: {  	s0 =	rddreg [dreg:$0x0]  }
0x2: {  	s1 =	rddreg [dreg:$0x1]  }
0x3: {  	s2 =	srdreg.scid;
	s5 =	rddreg [dreg:$0x2]  }
0x4: {  	s3 =	stileid.u32;
	s6 =	rddreg [dreg:$0x3];
	s18 =	simm.s32 $0x1  }
0x5: {  	s19 =	simm.s32 $0x40;
	s20 =	simm.s32 $0x200;
	s21 =	simm.s32 $0x2  }
0x6: {  	s22 =	simm.s32 $0x2200;
	s23 =	simm.s32 $0x3;
	s28 =	simm.s32 $0x5  }
0x7: {  	s29 =	simm.s32 $0x6;
	s30 =	simm.s32 $0x7;
	s31 =	simm.s32 $0x8  }
0x8: {  	s17 =	simm.s32 $0xB;
	s14 =	simm.s32 $0x0;
	s2 =	sand.u32 $0x1, s2  }
0x9: {  	s16 =	simm.s32 $0x8200;
	s3 =	sshll.u32 s3, $0x7;
	s4 =	sshll.u32 s2, $0x6  }
0xa: {  	s2 =	ssub.s32 $0x2, s2;
	s7 =	sor.u32 s4, s3;
	s3 =	simm.s32 $0x0  }
0xb: {  	s10 =	sshrl.u32 s2, $0x1;
	s8 =	sshll.u32 s7, $0x2;
	[smem:$0x7FF] =	sst s3  }
0xc: {  	s2 =	ssub.s32 s2, s10;
	s7 =	sshll.u32 s7, $0x4;
	s10 =	simm.s32 $0x180  }
0xd: {  	s9 =	sand.u32 $0x1E00, s8;
	_ =	strace $0x80000047;
	s8 =	sor.u32 s4, s8  }
0xe: {  	s25 =	sadd.s32 s5, s7;
	s13 =	smax.u32 s2, $0x1;
	s9 =	sor.u32 s4, s9  }
0xf: {  	s2 =	simm.s32 $0x9;
	s5 =	simm.s32 $0xC;
	s9 =	sshrl.u32 s9, $0x3  }
0x10: {  	s8 =	sshrl.u32 s8, $0x3;
	[dreg:$0x8] =	wrdreg s25;
	s4 =	sadd.s32 s0, s9  }
0x11: {  	s25 =	simm.s32 $0x4;
	s24 =	sor.u32 $0x20, s8;
	s9 =	sadd.s32 $0x10, s4  }
0x12: {  	s8 =	sor.u32 $0x30, s8;
	[dreg:$0x5] =	wrdreg s9;
	s9 =	sadd.s32 s0, s24  }
0x13: {  	s0 =	sadd.s32 s0, s8;
	s24 =	simm.s32 $0x4200;
	[dreg:$0x6] =	wrdreg s9  }
0x14: {  	[dreg:$0x7] =	wrdreg s0;
	s9 =	sadd.s32 s6, s7;
	s0 =	simm.s32 $0xA  }
0x15: {  	s6 =	simm.s32 $0xD;
	s26 =	sadd.s32 $0x8000, s9;
	s11 =	sadd.s32 $0x10000, s9  }
0x16: {  	s12 =	sadd.s32 $0x18000, s9;
	[dreg:$0x9] =	wrdreg s26;
	s26 =	simm.s32 $0x6200  }
.LBB2_1:
0x17: {  	[tilespmem:s3], [sflag:$0x1] =	stream.linear.gather [hbm4b:s4+s3], $0x40, $0x38;
	[tilespmem:$0xA200] =	vst v63  }
0x18: {  	s7 =	rddreg [dreg:$0x5];
	s8 =	simm.s32 $0x80  }
0x19: {  	[tilespmem:s8], [sflag:$0x2] =	stream.linear.gather [hbm4b:s7+s3], $0x40, $0x38;
	[tilespmem:$0xA200] =	vst v63  }
0x1a: {  	s15 =	simm.s32 $0x100;
	s7 =	rddreg [dreg:$0x6]  }
0x1b: {  	[tilespmem:s15], [sflag:$0x3] =	stream.linear.gather [hbm4b:s7+s3], $0x40, $0x38;
	[tilespmem:$0xA200] =	vst v63  }
0x1c: {  	s7 =	rddreg [dreg:$0x7]  }
0x1d: {  	[tilespmem:s10], [sflag:$0x4] =	stream.linear.gather [hbm4b:s7+s3], $0x40, $0x38;
	[tilespmem:$0xA200] =	vst v63  }
0x1e: {  	s7 =	rddreg [dreg:$0x8]  }
0x1f: {  	[tilespmem:s16], [sflag:$0x5] =	stream.linear.gather [hbm4b:s7+s3], $0x2000, $0x38;
	[tilespmem:$0xA200] =	vst v63  }
0x20: {  	_ =	swait.ge [sflag:s18], $0x40  }
0x21: {  	[sflag:s18] =	ssyncset.done $0x0  }
0x22: {  	[sflag:s18] =	ssyncadd.s32 $0xFFFFFFC0  }
0x23: {  	[tilespmem:s20], [sflag:$0x6] =	stream.indirect.gather [hbm4b:s1+s19], $0x80, s3, s19, $0xb8;
	[tilespmem:$0xA200] =	vst v63  }
0x24: {  	_ =	swait.ge [sflag:s21], $0x40  }
0x25: {  	[sflag:s21] =	ssyncset.done $0x0  }
0x26: {  	[sflag:s21] =	ssyncadd.s32 $0xFFFFFFC0  }
0x27: {  	[tilespmem:s22], [sflag:$0x7] =	stream.indirect.gather [hbm4b:s1+s19], $0x80, s8, s19, $0xb8;
	[tilespmem:$0xA200] =	vst v63  }
0x28: {  	_ =	swait.ge [sflag:s23], $0x40  }
0x29: {  	[sflag:s23] =	ssyncset.done $0x0  }
0x2a: {  	[sflag:s23] =	ssyncadd.s32 $0xFFFFFFC0  }
0x2b: {  	[tilespmem:s24], [sflag:$0x8] =	stream.indirect.gather [hbm4b:s1+s19], $0x80, s15, s19, $0xb8;
	[tilespmem:$0xA200] =	vst v63  }
0x2c: {  	_ =	swait.ge [sflag:s25], $0x40  }
0x2d: {  	[sflag:s25] =	ssyncset.done $0x0  }
0x2e: {  	[sflag:s25] =	ssyncadd.s32 $0xFFFFFFC0  }
0x2f: {  	[tilespmem:s26], [sflag:$0x9] =	stream.indirect.gather [hbm4b:s1+s19], $0x80, s10, s19, $0xb8;
	[tilespmem:$0xA200] =	vst v63  }
0x30: {  	_ =	swait.ge [sflag:s28], $0x2000  }
0x31: {  	[sflag:s28] =	ssyncset.done $0x0  }
0x32: {  	[sflag:s28] =	ssyncadd.s32 $0xFFFFE000  }
0x33: {  	_ =	swait.ge [sflag:s29], $0x2000  }
0x34: {  	[sflag:s29] =	ssyncset.done $0x0  }
0x35: {  	s7 =	simm.s32 $0x0;
	[sflag:s29] =	ssyncadd.s32 $0xFFFFE000  }
0x36: {  	v7 =	vld [tilespmem:s7+$0x8200]  }
0x37: {  	v11 =	vld [tilespmem:s7+$0x8210]  }
0x38: {  	v5 =	vld [tilespmem:s7+$0x8220]  }
0x39: {  	v4 =	vld [tilespmem:s7+$0x8230]  }
0x3a: {  	v3 =	vld [tilespmem:s7+$0x8240]  }
0x3b: {  	v2 =	vld [tilespmem:s7+$0x8250]  }
0x3c: {  	v1 =	vld [tilespmem:s7+$0x8260]  }
0x3d: {  	v0 =	vld [tilespmem:s7+$0x8270]  }
0x3e: {  	v12 =	vld [tilespmem:s7+$0x200]  }
0x3f: {  	v13 =	vld [tilespmem:s7+$0x210]  }
0x40: {  	v10 =	vld [tilespmem:s7+$0x220]  }
0x41: {  	v9 =	vld [tilespmem:s7+$0x230]  }
0x42: {  	v8 =	vld [tilespmem:s7+$0x240]  }
0x43: {  	v6 =	vld [tilespmem:s7+$0x250];
	v12 =	vadd.f32 v7, v12  }
0x44: {  	s15 =	simm.s32 $0x200;
	v11 =	vadd.f32 v11, v13;
	v7 =	vld [tilespmem:s7+$0x260]  }
.LBB2_2:
0x45: {  	s8 =	sshra.s32 s15, $0x2;
	p0 =	sne.s32 s15, $0x7E00;
	[tilespmem:s7+$0x200] =	vst v12;
	v5 =	vadd.f32 v5, v10;
	v10 =	vld [tilespmem:s7+$0x270]  }
0x46: {  	v12 =	vld [tilespmem:s8+$0x8200];
	[tilespmem:s7+$0x210] =	vst v11;
	v4 =	vadd.f32 v4, v9  }
0x47: {  	v11 =	vld [tilespmem:s8+$0x8210];
	[tilespmem:s7+$0x220] =	vst v5;
	v3 =	vadd.f32 v3, v8  }
0x48: {  	v5 =	vld [tilespmem:s8+$0x8220];
	[tilespmem:s7+$0x230] =	vst v4;
	v2 =	vadd.f32 v2, v6  }
0x49: {  	v4 =	vld [tilespmem:s8+$0x8230];
	[tilespmem:s7+$0x240] =	vst v3;
	v1 =	vadd.f32 v1, v7  }
0x4a: {  	v3 =	vld [tilespmem:s8+$0x8240];
	[tilespmem:s7+$0x250] =	vst v2;
	v0 =	vadd.f32 v0, v10  }
0x4b: {  	v2 =	vld [tilespmem:s8+$0x8250];
	[tilespmem:s7+$0x260] =	vst v1  }
0x4c: {  	v1 =	vld [tilespmem:s8+$0x8260];
	[tilespmem:s7+$0x270] =	vst v0;
	s7 =	smov.u32 s8  }
0x4d: {  	v0 =	vld [tilespmem:s7+$0x8270]  }
0x4e: {  	v6 =	vld [tilespmem:s7+$0x200]  }
0x4f: {  	v7 =	vld [tilespmem:s7+$0x210]  }
.Ltmp0:
0x50: {  	v10 =	vld [tilespmem:s7+$0x220];
	(pc) =	sbr.rel @p0 .LBB2_2-.Ltmp0, $4  }
0x51: {  	v9 =	vld [tilespmem:s7+$0x230]  }
0x52: {  	v8 =	vld [tilespmem:s7+$0x240]  }
0x53: {  	v12 =	vadd.f32 v12, v6;
	v6 =	vld [tilespmem:s7+$0x250]  }
0x54: {  	s15 =	sadd.s32 $0x200, s15;
	v11 =	vadd.f32 v11, v7;
	v7 =	vld [tilespmem:s7+$0x260]  }
0x55: {  	[tilespmem:s7+$0x200] =	vst v12;
	v5 =	vadd.f32 v5, v10;
	v10 =	vld [tilespmem:s7+$0x270]  }
0x56: {  	[tilespmem:s7+$0x210] =	vst v11;
	v4 =	vadd.f32 v4, v9  }
0x57: {  	[tilespmem:s7+$0x220] =	vst v5;
	v3 =	vadd.f32 v3, v8  }
0x58: {  	[tilespmem:s7+$0x230] =	vst v4;
	v2 =	vadd.f32 v2, v6  }
0x59: {  	[tilespmem:s7+$0x240] =	vst v3;
	v1 =	vadd.f32 v1, v7  }
0x5a: {  	[tilespmem:s7+$0x250] =	vst v2;
	v0 =	vadd.f32 v0, v10  }
0x5b: {  	[tilespmem:s7+$0x260] =	vst v1  }
0x5c: {  	s15 =	simm.s32 $0x0;
	[tilespmem:s7+$0x270] =	vst v0  }
0x5d: {  	[hbm4b:s9+s15] =	stream.linear.scatter [tilespmem:s20], [sflag:$0xA], $0x2000, $0x38;
	[tilespmem:$0xA200] =	vst v63  }
0x5e: {  	_ =	swait.ge [sflag:s30], $0x2000  }
0x5f: {  	[sflag:s30] =	ssyncset.done $0x0  }
0x60: {  	s7 =	simm.s32 $0x0;
	[sflag:s30] =	ssyncadd.s32 $0xFFFFE000  }
0x61: {  	v7 =	vld [tilespmem:s7+$0x8200]  }
0x62: {  	v11 =	vld [tilespmem:s7+$0x8210]  }
0x63: {  	v5 =	vld [tilespmem:s7+$0x8220]  }
0x64: {  	v4 =	vld [tilespmem:s7+$0x8230]  }
0x65: {  	v3 =	vld [tilespmem:s7+$0x8240]  }
0x66: {  	v2 =	vld [tilespmem:s7+$0x8250]  }
0x67: {  	v1 =	vld [tilespmem:s7+$0x8260]  }
0x68: {  	v0 =	vld [tilespmem:s7+$0x8270]  }
0x69: {  	v12 =	vld [tilespmem:s7+$0x2200]  }
0x6a: {  	v13 =	vld [tilespmem:s7+$0x2210]  }
0x6b: {  	v10 =	vld [tilespmem:s7+$0x2220]  }
0x6c: {  	v9 =	vld [tilespmem:s7+$0x2230]  }
0x6d: {  	v8 =	vld [tilespmem:s7+$0x2240]  }
0x6e: {  	v6 =	vld [tilespmem:s7+$0x2250];
	v12 =	vadd.f32 v7, v12  }
0x6f: {  	s15 =	simm.s32 $0x200;
	v11 =	vadd.f32 v11, v13;
	v7 =	vld [tilespmem:s7+$0x2260]  }
.LBB2_4:
0x70: {  	s8 =	sshra.s32 s15, $0x2;
	p0 =	sne.s32 s15, $0x7E00;
	[tilespmem:s7+$0x2200] =	vst v12;
	v5 =	vadd.f32 v5, v10;
	v10 =	vld [tilespmem:s7+$0x2270]  }
0x71: {  	v12 =	vld [tilespmem:s8+$0x8200];
	[tilespmem:s7+$0x2210] =	vst v11;
	v4 =	vadd.f32 v4, v9  }
0x72: {  	v11 =	vld [tilespmem:s8+$0x8210];
	[tilespmem:s7+$0x2220] =	vst v5;
	v3 =	vadd.f32 v3, v8  }
0x73: {  	v5 =	vld [tilespmem:s8+$0x8220];
	[tilespmem:s7+$0x2230] =	vst v4;
	v2 =	vadd.f32 v2, v6  }
0x74: {  	v4 =	vld [tilespmem:s8+$0x8230];
	[tilespmem:s7+$0x2240] =	vst v3;
	v1 =	vadd.f32 v1, v7  }
0x75: {  	v3 =	vld [tilespmem:s8+$0x8240];
	[tilespmem:s7+$0x2250] =	vst v2;
	v0 =	vadd.f32 v0, v10  }
0x76: {  	v2 =	vld [tilespmem:s8+$0x8250];
	[tilespmem:s7+$0x2260] =	vst v1  }
0x77: {  	v1 =	vld [tilespmem:s8+$0x8260];
	[tilespmem:s7+$0x2270] =	vst v0;
	s7 =	smov.u32 s8  }
0x78: {  	v0 =	vld [tilespmem:s7+$0x8270]  }
0x79: {  	v6 =	vld [tilespmem:s7+$0x2200]  }
0x7a: {  	v7 =	vld [tilespmem:s7+$0x2210]  }
.Ltmp1:
0x7b: {  	v10 =	vld [tilespmem:s7+$0x2220];
	(pc) =	sbr.rel @p0 .LBB2_4-.Ltmp1, $4  }
0x7c: {  	v9 =	vld [tilespmem:s7+$0x2230]  }
0x7d: {  	v8 =	vld [tilespmem:s7+$0x2240]  }
0x7e: {  	v12 =	vadd.f32 v12, v6;
	v6 =	vld [tilespmem:s7+$0x2250]  }
0x7f: {  	s15 =	sadd.s32 $0x200, s15;
	v11 =	vadd.f32 v11, v7;
	v7 =	vld [tilespmem:s7+$0x2260]  }
0x80: {  	[tilespmem:s7+$0x2200] =	vst v12;
	v5 =	vadd.f32 v5, v10;
	v10 =	vld [tilespmem:s7+$0x2270]  }
0x81: {  	[tilespmem:s7+$0x2210] =	vst v11;
	v4 =	vadd.f32 v4, v9  }
0x82: {  	[tilespmem:s7+$0x2220] =	vst v5;
	v3 =	vadd.f32 v3, v8  }
0x83: {  	[tilespmem:s7+$0x2230] =	vst v4;
	v2 =	vadd.f32 v2, v6  }
0x84: {  	[tilespmem:s7+$0x2240] =	vst v3;
	v1 =	vadd.f32 v1, v7  }
0x85: {  	[tilespmem:s7+$0x2250] =	vst v2;
	v0 =	vadd.f32 v0, v10  }
0x86: {  	[tilespmem:s7+$0x2260] =	vst v1  }
0x87: {  	s15 =	simm.s32 $0x0;
	s8 =	rddreg [dreg:$0x9];
	[tilespmem:s7+$0x2270] =	vst v0  }
0x88: {  	[hbm4b:s8+s15] =	stream.linear.scatter [tilespmem:s22], [sflag:$0xB], $0x2000, $0x38;
	[tilespmem:$0xA200] =	vst v63  }
0x89: {  	_ =	swait.ge [sflag:s31], $0x2000  }
0x8a: {  	[sflag:s31] =	ssyncset.done $0x0  }
0x8b: {  	s7 =	simm.s32 $0x0;
	[sflag:s31] =	ssyncadd.s32 $0xFFFFE000  }
0x8c: {  	v7 =	vld [tilespmem:s7+$0x8200]  }
0x8d: {  	v11 =	vld [tilespmem:s7+$0x8210]  }
0x8e: {  	v5 =	vld [tilespmem:s7+$0x8220]  }
0x8f: {  	v4 =	vld [tilespmem:s7+$0x8230]  }
0x90: {  	v3 =	vld [tilespmem:s7+$0x8240]  }
0x91: {  	v2 =	vld [tilespmem:s7+$0x8250]  }
0x92: {  	v1 =	vld [tilespmem:s7+$0x8260]  }
0x93: {  	v0 =	vld [tilespmem:s7+$0x8270]  }
0x94: {  	v12 =	vld [tilespmem:s7+$0x4200]  }
0x95: {  	v13 =	vld [tilespmem:s7+$0x4210]  }
0x96: {  	v10 =	vld [tilespmem:s7+$0x4220]  }
0x97: {  	v9 =	vld [tilespmem:s7+$0x4230]  }
0x98: {  	v8 =	vld [tilespmem:s7+$0x4240]  }
0x99: {  	v6 =	vld [tilespmem:s7+$0x4250];
	v12 =	vadd.f32 v7, v12  }
0x9a: {  	s15 =	simm.s32 $0x200;
	v11 =	vadd.f32 v11, v13;
	v7 =	vld [tilespmem:s7+$0x4260]  }
.LBB2_6:
0x9b: {  	s8 =	sshra.s32 s15, $0x2;
	p0 =	sne.s32 s15, $0x7E00;
	[tilespmem:s7+$0x4200] =	vst v12;
	v5 =	vadd.f32 v5, v10;
	v10 =	vld [tilespmem:s7+$0x4270]  }
0x9c: {  	v12 =	vld [tilespmem:s8+$0x8200];
	[tilespmem:s7+$0x4210] =	vst v11;
	v4 =	vadd.f32 v4, v9  }
0x9d: {  	v11 =	vld [tilespmem:s8+$0x8210];
	[tilespmem:s7+$0x4220] =	vst v5;
	v3 =	vadd.f32 v3, v8  }
0x9e: {  	v5 =	vld [tilespmem:s8+$0x8220];
	[tilespmem:s7+$0x4230] =	vst v4;
	v2 =	vadd.f32 v2, v6  }
0x9f: {  	v4 =	vld [tilespmem:s8+$0x8230];
	[tilespmem:s7+$0x4240] =	vst v3;
	v1 =	vadd.f32 v1, v7  }
0xa0: {  	v3 =	vld [tilespmem:s8+$0x8240];
	[tilespmem:s7+$0x4250] =	vst v2;
	v0 =	vadd.f32 v0, v10  }
0xa1: {  	v2 =	vld [tilespmem:s8+$0x8250];
	[tilespmem:s7+$0x4260] =	vst v1  }
0xa2: {  	v1 =	vld [tilespmem:s8+$0x8260];
	[tilespmem:s7+$0x4270] =	vst v0;
	s7 =	smov.u32 s8  }
0xa3: {  	v0 =	vld [tilespmem:s7+$0x8270]  }
0xa4: {  	v6 =	vld [tilespmem:s7+$0x4200]  }
0xa5: {  	v7 =	vld [tilespmem:s7+$0x4210]  }
.Ltmp2:
0xa6: {  	v10 =	vld [tilespmem:s7+$0x4220];
	(pc) =	sbr.rel @p0 .LBB2_6-.Ltmp2, $4  }
0xa7: {  	v9 =	vld [tilespmem:s7+$0x4230]  }
0xa8: {  	v8 =	vld [tilespmem:s7+$0x4240]  }
0xa9: {  	v12 =	vadd.f32 v12, v6;
	v6 =	vld [tilespmem:s7+$0x4250]  }
0xaa: {  	s15 =	sadd.s32 $0x200, s15;
	v11 =	vadd.f32 v11, v7;
	v7 =	vld [tilespmem:s7+$0x4260]  }
0xab: {  	[tilespmem:s7+$0x4200] =	vst v12;
	v5 =	vadd.f32 v5, v10;
	v10 =	vld [tilespmem:s7+$0x4270]  }
0xac: {  	[tilespmem:s7+$0x4210] =	vst v11;
	v4 =	vadd.f32 v4, v9  }
0xad: {  	[tilespmem:s7+$0x4220] =	vst v5;
	v3 =	vadd.f32 v3, v8  }
0xae: {  	[tilespmem:s7+$0x4230] =	vst v4;
	v2 =	vadd.f32 v2, v6  }
0xaf: {  	[tilespmem:s7+$0x4240] =	vst v3;
	v1 =	vadd.f32 v1, v7  }
0xb0: {  	[tilespmem:s7+$0x4250] =	vst v2;
	v0 =	vadd.f32 v0, v10  }
0xb1: {  	[tilespmem:s7+$0x4260] =	vst v1  }
0xb2: {  	s15 =	simm.s32 $0x0;
	[tilespmem:s7+$0x4270] =	vst v0  }
0xb3: {  	[hbm4b:s11+s15] =	stream.linear.scatter [tilespmem:s24], [sflag:$0xC], $0x2000, $0x38;
	[tilespmem:$0xA200] =	vst v63  }
0xb4: {  	_ =	swait.ge [sflag:s2], $0x2000  }
0xb5: {  	[sflag:s2] =	ssyncset.done $0x0  }
0xb6: {  	s7 =	simm.s32 $0x0;
	[sflag:s2] =	ssyncadd.s32 $0xFFFFE000  }
0xb7: {  	v7 =	vld [tilespmem:s7+$0x8200]  }
0xb8: {  	v11 =	vld [tilespmem:s7+$0x8210]  }
0xb9: {  	v5 =	vld [tilespmem:s7+$0x8220]  }
0xba: {  	v4 =	vld [tilespmem:s7+$0x8230]  }
0xbb: {  	v3 =	vld [tilespmem:s7+$0x8240]  }
0xbc: {  	v2 =	vld [tilespmem:s7+$0x8250]  }
0xbd: {  	v1 =	vld [tilespmem:s7+$0x8260]  }
0xbe: {  	v0 =	vld [tilespmem:s7+$0x8270]  }
0xbf: {  	v12 =	vld [tilespmem:s7+$0x6200]  }
0xc0: {  	v13 =	vld [tilespmem:s7+$0x6210]  }
0xc1: {  	v10 =	vld [tilespmem:s7+$0x6220]  }
0xc2: {  	v9 =	vld [tilespmem:s7+$0x6230]  }
0xc3: {  	v8 =	vld [tilespmem:s7+$0x6240]  }
0xc4: {  	v6 =	vld [tilespmem:s7+$0x6250];
	v12 =	vadd.f32 v7, v12  }
0xc5: {  	s15 =	simm.s32 $0x200;
	v11 =	vadd.f32 v11, v13;
	v7 =	vld [tilespmem:s7+$0x6260]  }
.LBB2_8:
0xc6: {  	s8 =	sshra.s32 s15, $0x2;
	p0 =	sne.s32 s15, $0x7E00;
	[tilespmem:s7+$0x6200] =	vst v12;
	v5 =	vadd.f32 v5, v10;
	v10 =	vld [tilespmem:s7+$0x6270]  }
0xc7: {  	v12 =	vld [tilespmem:s8+$0x8200];
	[tilespmem:s7+$0x6210] =	vst v11;
	v4 =	vadd.f32 v4, v9  }
0xc8: {  	v11 =	vld [tilespmem:s8+$0x8210];
	[tilespmem:s7+$0x6220] =	vst v5;
	v3 =	vadd.f32 v3, v8  }
0xc9: {  	v5 =	vld [tilespmem:s8+$0x8220];
	[tilespmem:s7+$0x6230] =	vst v4;
	v2 =	vadd.f32 v2, v6  }
0xca: {  	v4 =	vld [tilespmem:s8+$0x8230];
	[tilespmem:s7+$0x6240] =	vst v3;
	v1 =	vadd.f32 v1, v7  }
0xcb: {  	v3 =	vld [tilespmem:s8+$0x8240];
	[tilespmem:s7+$0x6250] =	vst v2;
	v0 =	vadd.f32 v0, v10  }
0xcc: {  	v2 =	vld [tilespmem:s8+$0x8250];
	[tilespmem:s7+$0x6260] =	vst v1  }
0xcd: {  	v1 =	vld [tilespmem:s8+$0x8260];
	[tilespmem:s7+$0x6270] =	vst v0;
	s7 =	smov.u32 s8  }
0xce: {  	v0 =	vld [tilespmem:s7+$0x8270]  }
0xcf: {  	v6 =	vld [tilespmem:s7+$0x6200]  }
0xd0: {  	v7 =	vld [tilespmem:s7+$0x6210]  }
.Ltmp3:
0xd1: {  	v10 =	vld [tilespmem:s7+$0x6220];
	(pc) =	sbr.rel @p0 .LBB2_8-.Ltmp3, $4  }
0xd2: {  	v9 =	vld [tilespmem:s7+$0x6230]  }
0xd3: {  	v8 =	vld [tilespmem:s7+$0x6240]  }
0xd4: {  	v12 =	vadd.f32 v12, v6;
	v6 =	vld [tilespmem:s7+$0x6250]  }
0xd5: {  	s15 =	sadd.s32 $0x200, s15;
	v11 =	vadd.f32 v11, v7;
	v7 =	vld [tilespmem:s7+$0x6260]  }
0xd6: {  	[tilespmem:s7+$0x6200] =	vst v12;
	v5 =	vadd.f32 v5, v10;
	v63 =	vld [tilespmem:s7+$0x6270]  }
0xd7: {  	[tilespmem:s7+$0x6210] =	vst v11;
	v4 =	vadd.f32 v4, v9  }
0xd8: {  	[tilespmem:s7+$0x6220] =	vst v5;
	v3 =	vadd.f32 v3, v8  }
0xd9: {  	[tilespmem:s7+$0x6230] =	vst v4;
	v2 =	vadd.f32 v2, v6  }
0xda: {  	[tilespmem:s7+$0x6240] =	vst v3;
	v1 =	vadd.f32 v1, v7  }
0xdb: {  	[tilespmem:s7+$0x6250] =	vst v2;
	v0 =	vadd.f32 v0, v63  }
0xdc: {  	[tilespmem:s7+$0x6260] =	vst v1  }
0xdd: {  	[tilespmem:s7+$0x6270] =	vst v0  }
0xde: {  	[hbm4b:s12+s3] =	stream.linear.scatter [tilespmem:s26], [sflag:$0xD], $0x2000, $0x38;
	[tilespmem:$0xA200] =	vst v63  }
0xdf: {  	_ =	swait.ge [sflag:s0], $0x2000  }
0xe0: {  	[sflag:s0] =	ssyncset.done $0x0  }
0xe1: {  	[sflag:s0] =	ssyncadd.s32 $0xFFFFE000  }
0xe2: {  	_ =	swait.ge [sflag:s17], $0x2000  }
0xe3: {  	[sflag:s17] =	ssyncset.done $0x0  }
0xe4: {  	s14 =	sadd.s32 $0x1, s14;
	[sflag:s17] =	ssyncadd.s32 $0xFFFFE000  }
0xe5: {  	p0 =	sne.s32 s14, s13;
	_ =	swait.ge [sflag:s5], $0x2000  }
.Ltmp4:
0xe6: {  	[sflag:s5] =	ssyncset.done $0x0;
	(pc) =	sbr.rel @p0 .LBB2_1-.Ltmp4, $4  }
0xe7: {  	[sflag:s5] =	ssyncadd.s32 $0xFFFFE000  }
0xe8: {  	_ =	swait.ge [sflag:s6], $0x2000  }
0xe9: {  	[sflag:s6] =	ssyncset.done $0x0  }
0xea: {  	[sflag:s6] =	ssyncadd.s32 $0xFFFFE000  }
0xeb: {  	_ =	sfence.sel $0x180000  }
0xec: {  	[bflag:$0x0] =	sbarrier.arrive $0xFFFF  }
0xed: {  	_ =	strace $0x90000047  }
0xee: {  	s0 =	stileid.u32;
	[bflag:$0x2] =	sbarrier.arrive $0xFFFF  }
0xef: {  	p0 =	sne.s32 s0, $0x0;
	s0 =	rddreg [dreg:$0x4]  }
0xf0: {  	s0 =	sadd.s32 @!p0 $0x100000, s0  }
0xf1: {  	[sflag:s0] =	ssyncadd.tile.s32 @!p0 $0x1;
	_ =	shalt  }
.Lfunc_end2:
_tile_overlayer_lowered:
.L_overlay_start_2:
0xf2: {  	(tag) =	ssettag $0x2  }
0xf3: {  	s0 =	rddreg [dreg:$0x0];
	s2 =	stileid.u32  }
0xf4: {  	s1 =	rddreg [dreg:$0x1];
	p0 =	sne.s32 s2, $0x0  }
0xf5: {  	s3 =	rddreg [dreg:$0x2];
	[bflag:$0x3] =	sbarrier.arrive $0xFFFF;
	s2 =	simm.s32 @!p0 $0x1C0E  }
0xf6: {  	[timem:s3], [sflag:s2] =	dma.local @!p0 [hbm:s0], s1  }
0xf7: {  	s0 =	simm.s32 @!p0 $0xE  }
0xf8: {  	_ =	swait.ge @!p0 [sflag:s0], s1  }
0xf9: {  	s1 =	ssub.s32 @!p0 $0x0, s1;
	[sflag:s0] =	ssyncset.done @!p0 $0x0  }
0xfa: {  	[sflag:s0] =	ssyncadd.s32 @!p0 s1  }
0xfb: {  	[bflag:$0x3] =	sbarrier.arrive $0xFFFF  }
0xfc: {  	_ =	shalt  }

</sc_bundles>
